<compile_context>
chip_gen: v7x
topology: tpu7x:2x2x1
jax: 0.10.2.dev20260603
libtpu: 0.0.44.dev20260713+nightly
codegen_flags: <defaults>
</compile_context>

<pallas_src>
import functools

import jax
import jax.numpy as jnp
from jax import lax
from jax.experimental import pallas as pl
from jax.experimental.pallas import tpu as pltpu
from jax.experimental.pallas import tpu_sc as plsc

N = 10000
E = 320000
D = 128
NG = 64
NC = 2
NS = 16
NW = NC * NS
EPW = E // NW
CH = 80
K = EPW // CH
NP = 10240
RPS = NP // NS
ZR = 16

@functools.cache
def _mesh():
    return plsc.VectorSubcoreMesh(core_axis_name="c", subcore_axis_name="s")


def _agg_sc(h, src3, dst3):

    @functools.partial(
        pl.kernel,
        out_type=jax.ShapeDtypeStruct((NC, NP, D), jnp.float32),
        mesh=_mesh(),
        scratch_types=[
            pltpu.VMEM((K, CH), jnp.int32),
            pltpu.VMEM((K, CH), jnp.int32),
            pltpu.VMEM((CH, D), jnp.float32),
            pltpu.VMEM((ZR, D), jnp.float32),
            pltpu.VMEM_SHARED((NP, D), jnp.float32),
            pltpu.SemaphoreType.DMA,
        ],
    )
    def k(h_hbm, src_hbm, dst_hbm, out_hbm, src_v, dst_v, rows_v, z_v, acc_sh, sem):
        cid = lax.axis_index("c")
        sid = lax.axis_index("s")
        wid = cid * NS + sid

        zv = jnp.zeros((16,), jnp.float32)

        @pl.loop(0, ZR)
        def _(r):
            @pl.loop(0, D, step=16)
            def _(cc):
                z_v.at[r, pl.ds(cc, 16)][...] = zv

        @pl.loop(0, RPS, step=ZR)
        def _(r0):
            pltpu.sync_copy(z_v, acc_sh.at[pl.ds(sid * RPS + r0, ZR)])

        pltpu.sync_copy(src_hbm.at[wid], src_v)
        pltpu.sync_copy(dst_hbm.at[wid], dst_v)
        plsc.subcore_barrier()

        @pl.loop(0, K)
        def _(j):
            pltpu.async_copy(h_hbm.at[src_v.at[j]], rows_v, sem).wait()
            pltpu.sync_copy(rows_v, acc_sh.at[dst_v.at[j]], add=True)

        plsc.subcore_barrier()
        pltpu.sync_copy(
            acc_sh.at[pl.ds(sid * RPS, RPS)],
            out_hbm.at[cid, pl.ds(sid * RPS, RPS)],
        )

    return k(h, src3, dst3)


def _xla_mean_ref(zr, r, c):
    def accum(base, nslab):
        def step(i, acc):
            return acc + zr[pl.ds(base + i * 8, 8), :]
        acc = lax.fori_loop(0, nslab, step, jnp.zeros((8, c), jnp.float32))
        t = acc[0:4] + acc[4:8]
        t = t[0:2] + t[2:4]
        return t[0:1] + t[1:2]

    if r >= 1024:
        hs = r // 16
        s = accum(0, hs) + accum(hs * 8, hs)
    else:
        s = accum(0, r // 8)
    return s * jnp.float32(1.0 / r)


def _bn_relu(z, g, be, scratch):
    r, c = z.shape
    scratch[...] = z
    m = _xla_mean_ref(scratch, r, c)
    cen = z - m
    scratch[...] = cen * cen
    v = _xla_mean_ref(scratch, r, c)
    return jnp.maximum((z - m) / jnp.sqrt(v + 1e-5) * g + be, 0.0)


def _mlp_tc(h, agg, w1, b1, g1, be1, w2, b2, g2, be2):
    def body(h_ref, a_ref, w1_ref, b1_ref, g1_ref, be1_ref,
             w2_ref, b2_ref, g2_ref, be2_ref, o_ref, s1_ref, s2_ref):
        u = h_ref[...] + (a_ref[0] + a_ref[1])
        z = jnp.dot(u, w1_ref[...], preferred_element_type=jnp.float32) + b1_ref[...]
        z = _bn_relu(z, g1_ref[...], be1_ref[...], s1_ref)
        z = jnp.dot(z, w2_ref[...], preferred_element_type=jnp.float32) + b2_ref[...]
        o_ref[...] = _bn_relu(z, g2_ref[...], be2_ref[...], s2_ref)

    return pl.pallas_call(
        body,
        out_shape=jax.ShapeDtypeStruct((N, D), jnp.float32),
        scratch_shapes=[pltpu.VMEM((N, 2 * D), jnp.float32),
                        pltpu.VMEM((N, D), jnp.float32)],
    )(h, agg[:, :N, :], w1, b1.reshape(1, -1), g1.reshape(1, -1), be1.reshape(1, -1),
      w2, b2.reshape(1, -1), g2.reshape(1, -1), be2.reshape(1, -1))


_POOL_BOUNDS = [720 * k for k in range(1, 11)] + [7200 + 480 * k for k in range(1, 6)]
_POOL_CHUNKS = list(zip([0] + _POOL_BOUNDS, _POOL_BOUNDS + [N]))


def _head_tc(h, batch1d, w, b, g, be, cw, cb):
    def body(h_ref, bt_ref, w_ref, b_ref, g_ref, be_ref, cw_ref, cb_ref, o_ref,
             s_ref, a_ref, p_ref):
        p_ref[...] = jnp.zeros((NG, D), jnp.float32)
        for c0, c1 in _POOL_CHUNKS:
            a_ref[...] = jnp.zeros((NG, D), jnp.float32)

            def step(i, carry):
                gid = bt_ref[i]
                a_ref[pl.ds(gid, 1), :] += h_ref[pl.ds(i, 1), :]
                return carry

            lax.fori_loop(c0, c1, step, 0)
            p_ref[...] = p_ref[...] + a_ref[...]
        pooled = p_ref[...]
        z = jnp.dot(pooled, w_ref[...], preferred_element_type=jnp.float32) + b_ref[...]
        z = _bn_relu(z, g_ref[...], be_ref[...], s_ref)
        o_ref[...] = jnp.dot(z, cw_ref[...], preferred_element_type=jnp.float32) + cb_ref[...]

    in_specs = [pl.BlockSpec(memory_space=pltpu.VMEM) for _ in range(8)]
    in_specs[1] = pl.BlockSpec(memory_space=pltpu.SMEM)
    return pl.pallas_call(
        body,
        out_shape=jax.ShapeDtypeStruct((NG, 1), jnp.float32),
        in_specs=in_specs,
        scratch_shapes=[pltpu.VMEM((NG, D), jnp.float32),
                        pltpu.VMEM((NG, D), jnp.float32),
                        pltpu.VMEM((NG, D), jnp.float32)],
    )(h, batch1d, w, b.reshape(1, -1), g.reshape(1, -1), be.reshape(1, -1),
      cw, cb.reshape(1, -1))


def kernel(x, edge_index, batch, params):
    src3 = edge_index[0].reshape(NW, K, CH)
    dst3 = edge_index[1].reshape(NW, K, CH)
    batch1d = batch
    h = x
    for i in range(3):
        p = params[f"layer{i}"]
        agg = _agg_sc(h, src3, dst3)
        h = _mlp_tc(h, agg, p["W1"], p["b1"], p["g1"], p["be1"],
                    p["W2"], p["b2"], p["g2"], p["be2"])
    out = _head_tc(h, batch1d, params["lin1_W"], params["lin1_b"],
                   params["bn1_g"], params["bn1_b"],
                   params["cls_W"], params["cls_b"])
    return out.reshape(-1)

# --- scband reference (transcript-rebuilt; emitter-appended) ---
"""Pipeline reference for scband-gin-4982162063758 (READ-ONLY COPY).

The authoritative reference and input builder live on the scoring server;
editing this copy changes nothing except your own understanding.
"""

import jax, jax.numpy as jnp
import numpy as np

N_NODES = 10000
N_EDGES = 320000
D_IN = 128
H = 128
NUM_LAYERS = 3
NUM_GRAPHS = 64


def _bn(z, g, b, eps=1e-5):
    m = jnp.mean(z, axis=0, keepdims=True)
    v = jnp.var(z, axis=0, keepdims=True)
    return (z - m) / jnp.sqrt(v + eps) * g + b


def setup_inputs(seed: int = 0) -> dict:
    key = jax.random.key(seed)
    ks = jax.random.split(key, 64)
    x = jax.random.normal(ks[0], (N_NODES, D_IN), dtype=jnp.float32)
    edge_index = jax.random.randint(ks[1], (2, N_EDGES), 0, N_NODES, dtype=jnp.int32)
    batch = jnp.sort(jax.random.randint(ks[2], (N_NODES,), 0, NUM_GRAPHS, dtype=jnp.int32))
    params = {}
    kidx = 3
    d_in = D_IN
    for i in range(NUM_LAYERS):
        params[f"layer{i}"] = {
            "W1": 0.05 * jax.random.normal(ks[kidx + 0], (d_in, 2 * H), dtype=jnp.float32),
            "b1": jnp.zeros((2 * H,), dtype=jnp.float32),
            "g1": jnp.ones((2 * H,), dtype=jnp.float32),
            "be1": jnp.zeros((2 * H,), dtype=jnp.float32),
            "W2": 0.05 * jax.random.normal(ks[kidx + 1], (2 * H, H), dtype=jnp.float32),
            "b2": jnp.zeros((H,), dtype=jnp.float32),
            "g2": jnp.ones((H,), dtype=jnp.float32),
            "be2": jnp.zeros((H,), dtype=jnp.float32),
        }
        kidx += 2
        d_in = H
    params["lin1_W"] = 0.05 * jax.random.normal(ks[kidx], (H, H), dtype=jnp.float32)
    params["lin1_b"] = jnp.zeros((H,), dtype=jnp.float32)
    params["bn1_g"] = jnp.ones((H,), dtype=jnp.float32)
    params["bn1_b"] = jnp.zeros((H,), dtype=jnp.float32)
    params["cls_W"] = 0.05 * jax.random.normal(ks[kidx + 1], (H, 1), dtype=jnp.float32)
    params["cls_b"] = jnp.zeros((1,), dtype=jnp.float32)
    return {"x": x, "edge_index": edge_index, "batch": batch, "params": params}


def reference(x, edge_index, batch, params):
    src = edge_index[0]
    dst = edge_index[1]
    h = x
    for i in range(NUM_LAYERS):
        p = params[f"layer{i}"]
        # GINConv with eps=0: (1+eps)*h + sum_{j in N(i)} h_j
        agg = jax.ops.segment_sum(h[src], dst, num_segments=N_NODES)
        z = h + agg
        # MLP: Linear -> BN -> ReLU -> Linear
        z = z @ p["W1"] + p["b1"]
        z = _bn(z, p["g1"], p["be1"])
        z = jax.nn.relu(z)
        z = z @ p["W2"] + p["b2"]
        # outer BatchNorm + ReLU (dropout is identity in eval)
        z = _bn(z, p["g2"], p["be2"])
        h = jax.nn.relu(z)
    pooled = jax.ops.segment_sum(h, batch, num_segments=NUM_GRAPHS)
    z = pooled @ params["lin1_W"] + params["lin1_b"]
    z = _bn(z, params["bn1_g"], params["bn1_b"])
    z = jax.nn.relu(z)
    out = z @ params["cls_W"] + params["cls_b"]
    return out.reshape(-1)

if __name__ == "__main__":
    import jax
    _d = setup_inputs()
    print(jax.jit(kernel)(*tuple(_d.values())))

</pallas_src>

<mosaic_0001>
#map = affine_map<(d0, d1) -> (0, 0)>
#map1 = affine_map<(d0, d1) -> (0, 0, 0)>
module attributes {stable_mosaic.version = 14 : i64} {
  func.func @k(%arg0: i32, %arg1: i32, %arg2: memref<10000x128xf32, #tpu.memory_space<hbm>>, %arg3: memref<32x125x80xi32, #tpu.memory_space<hbm>>, %arg4: memref<32x125x80xi32, #tpu.memory_space<hbm>>, %arg5: memref<2x10240x128xf32, #tpu.memory_space<hbm>>, %arg6: memref<125x80xi32, #tpu.memory_space<vmem>>, %arg7: memref<125x80xi32, #tpu.memory_space<vmem>>, %arg8: memref<80x128xf32, #tpu.memory_space<vmem>>, %arg9: memref<16x128xf32, #tpu.memory_space<vmem>>, %arg10: memref<10240x128xf32, #tpu.memory_space<vmem_shared>>, %arg11: memref<!tpu.dma_semaphore, #tpu.memory_space<semaphore_mem>>) attributes {dimension_semantics = [#tpu.dimension_semantics<core_parallel>, #tpu.dimension_semantics<subcore_parallel>], iteration_bounds = array<i64: 2, 16>, scalar_prefetch = 0 : i64, scratch_operands = 6 : i64, tpu.core_type = #tpu.core_type<sc_vector_subcore>, window_params = [{transform_indices = #map}, {transform_indices = #map1}, {transform_indices = #map1}, {transform_indices = #map1}]} {
    %mul3A = arith.constant 16 : i32
    %mul3A_0 = arith.muli %arg0, %mul3A : i32
    %add3A = arith.addi %mul3A_0, %arg1 : i32
    %broadcast_in_dim3A = arith.constant 0.000000e+00 : f32
    %broadcast_in_dim3A_1 = vector.broadcast %broadcast_in_dim3A : f32 to vector<16xf32>
    %scan3A = arith.constant 0 : i32
    %scan3A_2 = arith.constant 16 : i32
    %scan3A_3 = arith.addi %scan3A, %scan3A_2 : i32
    %scan3A_4 = arith.constant 1 : i32
    scf.for %scan3A_21 = %scan3A to %scan3A_3 step %scan3A_4  : i32 {
      %mul3A_22 = arith.constant 1 : i32
      %mul3A_23 = arith.muli %scan3A_21, %mul3A_22 : i32
      %add3A_24 = arith.constant 0 : i32
      %add3A_25 = arith.addi %add3A_24, %mul3A_23 : i32
      %scan3A_26 = arith.constant 0 : i32
      %scan3A_27 = arith.constant 8 : i32
      %scan3A_28 = arith.addi %scan3A_26, %scan3A_27 : i32
      %scan3A_29 = arith.constant 1 : i32
      scf.for %scan3A_31 = %scan3A_26 to %scan3A_28 step %scan3A_29  : i32 {
        %mul3A_32 = arith.constant 16 : i32
        %mul3A_33 = arith.muli %scan3A_31, %mul3A_32 : i32
        %add3A_34 = arith.constant 0 : i32
        %add3A_35 = arith.addi %add3A_34, %mul3A_33 : i32
        %swap3A = arith.index_cast %add3A_25 : i32 to index
        %swap3A_36 = arith.index_cast %add3A_35 : i32 to index
        %swap3A_37 = tpu.vector_load %arg9[%swap3A, %swap3A_36] {strides = array<i32>} : memref<16x128xf32, #tpu.memory_space<vmem>>, vector<1x16xf32>,
        %swap3A_38 = vector.shape_cast %swap3A_37 : vector<1x16xf32> to vector<16xf32>
        %swap3A_39 = vector.shape_cast %broadcast_in_dim3A_1 : vector<16xf32> to vector<1x16xf32>
        tpu.vector_store %arg9[%swap3A, %swap3A_36], %swap3A_39 {strides = array<i32>} : memref<16x128xf32, #tpu.memory_space<vmem>>, vector<1x16xf32>,
      }
      %scan3A_30 = arith.constant 8 : i32
    }
    %scan3A_5 = arith.constant 16 : i32
    %scan3A_6 = arith.constant 0 : i32
    %scan3A_7 = arith.constant 40 : i32
    %scan3A_8 = arith.addi %scan3A_6, %scan3A_7 : i32
    %scan3A_9 = arith.constant 1 : i32
    scf.for %scan3A_21 = %scan3A_6 to %scan3A_8 step %scan3A_9  : i32 {
      %mul3A_22 = arith.constant 16 : i32
      %mul3A_23 = arith.muli %scan3A_21, %mul3A_22 : i32
      %add3A_24 = arith.constant 0 : i32
      %add3A_25 = arith.addi %add3A_24, %mul3A_23 : i32
      %mul3A_26 = arith.constant 640 : i32
      %mul3A_27 = arith.muli %arg1, %mul3A_26 : i32
      %add3A_28 = arith.addi %mul3A_27, %add3A_25 : i32
      "tpu.region"() ({
        %run_scoped3A = tpu.sem_alloc : memref<!tpu.dma_semaphore, #tpu.memory_space<semaphore_mem>>
        %dma_start3A = arith.constant 0 : i32
        %dma_start3A_29 = tpu.memref_slice %arg10[%add3A_28, %dma_start3A] : memref<10240x128xf32, #tpu.memory_space<vmem_shared>> -> memref<16x128xf32, #tpu.memory_space<vmem_shared>>
        %dma_start3A_30 = arith.constant 0 : i32
        %dma_start3A_31 = tpu.memref_slice %arg10[%add3A_28, %dma_start3A_30] : memref<10240x128xf32, #tpu.memory_space<vmem_shared>> -> memref<16x128xf32, #tpu.memory_space<vmem_shared>>
        tpu.enqueue_dma source(%arg9 : memref<16x128xf32, #tpu.memory_space<vmem>>) target(%dma_start3A_31 : memref<16x128xf32, #tpu.memory_space<vmem_shared>>) target_semaphore(%run_scoped3A : memref<!tpu.dma_semaphore, #tpu.memory_space<semaphore_mem>>)
        %dma_wait3A = arith.constant 0 : i32
        %dma_wait3A_32 = tpu.memref_slice %arg10[%add3A_28, %dma_wait3A] : memref<10240x128xf32, #tpu.memory_space<vmem_shared>> -> memref<16x128xf32, #tpu.memory_space<vmem_shared>>
        %dma_wait3A_33 = arith.constant 0 : i32
        %dma_wait3A_34 = tpu.memref_slice %arg10[%add3A_28, %dma_wait3A_33] : memref<10240x128xf32, #tpu.memory_space<vmem_shared>> -> memref<16x128xf32, #tpu.memory_space<vmem_shared>>
        tpu.wait_dma2 semaphore(%run_scoped3A : memref<!tpu.dma_semaphore, #tpu.memory_space<semaphore_mem>>) src(%arg9 : memref<16x128xf32, #tpu.memory_space<vmem>>) dst(%dma_wait3A_34 : memref<16x128xf32, #tpu.memory_space<vmem_shared>>)
        tpu.yield
      }) : () -> ()
    }
    %scan3A_10 = arith.constant 40 : i32
    "tpu.region"() ({
      %run_scoped3A = tpu.sem_alloc : memref<!tpu.dma_semaphore, #tpu.memory_space<semaphore_mem>>
      %dma_start3A = arith.constant 0 : i32
      %dma_start3A_21 = arith.constant 0 : i32
      %dma_start3A_22 = tpu.memref_slice %arg3[%add3A, %dma_start3A, %dma_start3A_21] : memref<32x125x80xi32, #tpu.memory_space<hbm>> -> memref<1x125x80xi32, #tpu.memory_space<hbm>>
      %dma_start3A_23 = tpu.memref_squeeze %dma_start3A_22 : memref<1x125x80xi32, #tpu.memory_space<hbm>> -> memref<125x80xi32, #tpu.memory_space<hbm>>
      %dma_start3A_24 = arith.constant 0 : i32
      %dma_start3A_25 = arith.constant 0 : i32
      %dma_start3A_26 = tpu.memref_slice %arg3[%add3A, %dma_start3A_24, %dma_start3A_25] : memref<32x125x80xi32, #tpu.memory_space<hbm>> -> memref<1x125x80xi32, #tpu.memory_space<hbm>>
      %dma_start3A_27 = tpu.memref_squeeze %dma_start3A_26 : memref<1x125x80xi32, #tpu.memory_space<hbm>> -> memref<125x80xi32, #tpu.memory_space<hbm>>
      tpu.enqueue_dma source(%dma_start3A_27 : memref<125x80xi32, #tpu.memory_space<hbm>>) target(%arg6 : memref<125x80xi32, #tpu.memory_space<vmem>>) target_semaphore(%run_scoped3A : memref<!tpu.dma_semaphore, #tpu.memory_space<semaphore_mem>>)
      %dma_wait3A = arith.constant 0 : i32
      %dma_wait3A_28 = arith.constant 0 : i32
      %dma_wait3A_29 = tpu.memref_slice %arg3[%add3A, %dma_wait3A, %dma_wait3A_28] : memref<32x125x80xi32, #tpu.memory_space<hbm>> -> memref<1x125x80xi32, #tpu.memory_space<hbm>>
      %dma_wait3A_30 = tpu.memref_squeeze %dma_wait3A_29 : memref<1x125x80xi32, #tpu.memory_space<hbm>> -> memref<125x80xi32, #tpu.memory_space<hbm>>
      %dma_wait3A_31 = arith.constant 0 : i32
      %dma_wait3A_32 = arith.constant 0 : i32
      %dma_wait3A_33 = tpu.memref_slice %arg3[%add3A, %dma_wait3A_31, %dma_wait3A_32] : memref<32x125x80xi32, #tpu.memory_space<hbm>> -> memref<1x125x80xi32, #tpu.memory_space<hbm>>
      %dma_wait3A_34 = tpu.memref_squeeze %dma_wait3A_33 : memref<1x125x80xi32, #tpu.memory_space<hbm>> -> memref<125x80xi32, #tpu.memory_space<hbm>>
      tpu.wait_dma2 semaphore(%run_scoped3A : memref<!tpu.dma_semaphore, #tpu.memory_space<semaphore_mem>>) src(%dma_wait3A_34 : memref<125x80xi32, #tpu.memory_space<hbm>>) dst(%arg6 : memref<125x80xi32, #tpu.memory_space<vmem>>)
      tpu.yield
    }) : () -> ()
    "tpu.region"() ({
      %run_scoped3A = tpu.sem_alloc : memref<!tpu.dma_semaphore, #tpu.memory_space<semaphore_mem>>
      %dma_start3A = arith.constant 0 : i32
      %dma_start3A_21 = arith.constant 0 : i32
      %dma_start3A_22 = tpu.memref_slice %arg4[%add3A, %dma_start3A, %dma_start3A_21] : memref<32x125x80xi32, #tpu.memory_space<hbm>> -> memref<1x125x80xi32, #tpu.memory_space<hbm>>
      %dma_start3A_23 = tpu.memref_squeeze %dma_start3A_22 : memref<1x125x80xi32, #tpu.memory_space<hbm>> -> memref<125x80xi32, #tpu.memory_space<hbm>>
      %dma_start3A_24 = arith.constant 0 : i32
      %dma_start3A_25 = arith.constant 0 : i32
      %dma_start3A_26 = tpu.memref_slice %arg4[%add3A, %dma_start3A_24, %dma_start3A_25] : memref<32x125x80xi32, #tpu.memory_space<hbm>> -> memref<1x125x80xi32, #tpu.memory_space<hbm>>
      %dma_start3A_27 = tpu.memref_squeeze %dma_start3A_26 : memref<1x125x80xi32, #tpu.memory_space<hbm>> -> memref<125x80xi32, #tpu.memory_space<hbm>>
      tpu.enqueue_dma source(%dma_start3A_27 : memref<125x80xi32, #tpu.memory_space<hbm>>) target(%arg7 : memref<125x80xi32, #tpu.memory_space<vmem>>) target_semaphore(%run_scoped3A : memref<!tpu.dma_semaphore, #tpu.memory_space<semaphore_mem>>)
      %dma_wait3A = arith.constant 0 : i32
      %dma_wait3A_28 = arith.constant 0 : i32
      %dma_wait3A_29 = tpu.memref_slice %arg4[%add3A, %dma_wait3A, %dma_wait3A_28] : memref<32x125x80xi32, #tpu.memory_space<hbm>> -> memref<1x125x80xi32, #tpu.memory_space<hbm>>
      %dma_wait3A_30 = tpu.memref_squeeze %dma_wait3A_29 : memref<1x125x80xi32, #tpu.memory_space<hbm>> -> memref<125x80xi32, #tpu.memory_space<hbm>>
      %dma_wait3A_31 = arith.constant 0 : i32
      %dma_wait3A_32 = arith.constant 0 : i32
      %dma_wait3A_33 = tpu.memref_slice %arg4[%add3A, %dma_wait3A_31, %dma_wait3A_32] : memref<32x125x80xi32, #tpu.memory_space<hbm>> -> memref<1x125x80xi32, #tpu.memory_space<hbm>>
      %dma_wait3A_34 = tpu.memref_squeeze %dma_wait3A_33 : memref<1x125x80xi32, #tpu.memory_space<hbm>> -> memref<125x80xi32, #tpu.memory_space<hbm>>
      tpu.wait_dma2 semaphore(%run_scoped3A : memref<!tpu.dma_semaphore, #tpu.memory_space<semaphore_mem>>) src(%dma_wait3A_34 : memref<125x80xi32, #tpu.memory_space<hbm>>) dst(%arg7 : memref<125x80xi32, #tpu.memory_space<vmem>>)
      tpu.yield
    }) : () -> ()
    %barrier3A = arith.constant 0 : index
    tpu.barrier barrier_id(%barrier3A)
    %scan3A_11 = arith.constant 0 : i32
    %scan3A_12 = arith.constant 125 : i32
    %scan3A_13 = arith.addi %scan3A_11, %scan3A_12 : i32
    %scan3A_14 = arith.constant 1 : i32
    scf.for %scan3A_21 = %scan3A_11 to %scan3A_13 step %scan3A_14  : i32 {
      %mul3A_22 = arith.constant 1 : i32
      %mul3A_23 = arith.muli %scan3A_21, %mul3A_22 : i32
      %add3A_24 = arith.constant 0 : i32
      %add3A_25 = arith.addi %add3A_24, %mul3A_23 : i32
      %dma_start3A = arith.constant 0 : i32
      %dma_start3A_26 = tpu.memref_slice %arg6[%add3A_25, %dma_start3A] : memref<125x80xi32, #tpu.memory_space<vmem>> -> memref<1x80xi32, #tpu.memory_space<vmem>>
      %dma_start3A_27 = tpu.memref_squeeze %dma_start3A_26 : memref<1x80xi32, #tpu.memory_space<vmem>> -> memref<80xi32, #tpu.memory_space<vmem>>
      %dma_start3A_28 = arith.constant 0 : i32
      %dma_start3A_29 = arith.constant 0 : i32
      %dma_start3A_30 = tpu.memref_slice %arg2[%dma_start3A_28, %dma_start3A_29] : memref<10000x128xf32, #tpu.memory_space<hbm>> -> memref<10000x128xf32, #tpu.memory_space<hbm>>
      tpu.enqueue_indirect_dma source(%dma_start3A_30 : memref<10000x128xf32, #tpu.memory_space<hbm>>) target(%arg8 : memref<80x128xf32, #tpu.memory_space<vmem>>) offsets(%dma_start3A_27 : memref<80xi32, #tpu.memory_space<vmem>>) semaphore(%arg11 : memref<!tpu.dma_semaphore, #tpu.memory_space<semaphore_mem>>)
      %dma_wait3A = arith.constant 0 : i32
      %dma_wait3A_31 = tpu.memref_slice %arg6[%add3A_25, %dma_wait3A] : memref<125x80xi32, #tpu.memory_space<vmem>> -> memref<1x80xi32, #tpu.memory_space<vmem>>
      %dma_wait3A_32 = tpu.memref_squeeze %dma_wait3A_31 : memref<1x80xi32, #tpu.memory_space<vmem>> -> memref<80xi32, #tpu.memory_space<vmem>>
      %dma_wait3A_33 = arith.constant 0 : i32
      %dma_wait3A_34 = arith.constant 0 : i32
      %dma_wait3A_35 = tpu.memref_slice %arg2[%dma_wait3A_33, %dma_wait3A_34] : memref<10000x128xf32, #tpu.memory_space<hbm>> -> memref<10000x128xf32, #tpu.memory_space<hbm>>
      tpu.wait_indirect_dma semaphore(%arg11 : memref<!tpu.dma_semaphore, #tpu.memory_space<semaphore_mem>>) src(%dma_wait3A_35 : memref<10000x128xf32, #tpu.memory_space<hbm>>) dst(%arg8 : memref<80x128xf32, #tpu.memory_space<vmem>>)
      "tpu.region"() ({
        %run_scoped3A = tpu.sem_alloc : memref<!tpu.dma_semaphore, #tpu.memory_space<semaphore_mem>>
        %dma_start3A_36 = arith.constant 0 : i32
        %dma_start3A_37 = tpu.memref_slice %arg7[%add3A_25, %dma_start3A_36] : memref<125x80xi32, #tpu.memory_space<vmem>> -> memref<1x80xi32, #tpu.memory_space<vmem>>
        %dma_start3A_38 = tpu.memref_squeeze %dma_start3A_37 : memref<1x80xi32, #tpu.memory_space<vmem>> -> memref<80xi32, #tpu.memory_space<vmem>>
        %dma_start3A_39 = arith.constant 0 : i32
        %dma_start3A_40 = arith.constant 0 : i32
        %dma_start3A_41 = tpu.memref_slice %arg10[%dma_start3A_39, %dma_start3A_40] : memref<10240x128xf32, #tpu.memory_space<vmem_shared>> -> memref<10240x128xf32, #tpu.memory_space<vmem_shared>>
        tpu.enqueue_indirect_dma source(%arg8 : memref<80x128xf32, #tpu.memory_space<vmem>>) target(%dma_start3A_41 : memref<10240x128xf32, #tpu.memory_space<vmem_shared>>) offsets(%dma_start3A_38 : memref<80xi32, #tpu.memory_space<vmem>>) semaphore(%run_scoped3A : memref<!tpu.dma_semaphore, #tpu.memory_space<semaphore_mem>>) {add = true}
        %dma_wait3A_42 = arith.constant 0 : i32
        %dma_wait3A_43 = tpu.memref_slice %arg7[%add3A_25, %dma_wait3A_42] : memref<125x80xi32, #tpu.memory_space<vmem>> -> memref<1x80xi32, #tpu.memory_space<vmem>>
        %dma_wait3A_44 = tpu.memref_squeeze %dma_wait3A_43 : memref<1x80xi32, #tpu.memory_space<vmem>> -> memref<80xi32, #tpu.memory_space<vmem>>
        %dma_wait3A_45 = arith.constant 0 : i32
        %dma_wait3A_46 = arith.constant 0 : i32
        %dma_wait3A_47 = tpu.memref_slice %arg10[%dma_wait3A_45, %dma_wait3A_46] : memref<10240x128xf32, #tpu.memory_space<vmem_shared>> -> memref<10240x128xf32, #tpu.memory_space<vmem_shared>>
        tpu.wait_indirect_dma semaphore(%run_scoped3A : memref<!tpu.dma_semaphore, #tpu.memory_space<semaphore_mem>>) src(%arg8 : memref<80x128xf32, #tpu.memory_space<vmem>>) dst(%dma_wait3A_47 : memref<10240x128xf32, #tpu.memory_space<vmem_shared>>)
        tpu.yield
      }) : () -> ()
    }
    %scan3A_15 = arith.constant 125 : i32
    %barrier3A_16 = arith.constant 0 : index
    tpu.barrier barrier_id(%barrier3A_16)
    %mul3A_17 = arith.constant 640 : i32
    %mul3A_18 = arith.muli %arg1, %mul3A_17 : i32
    %mul3A_19 = arith.constant 640 : i32
    %mul3A_20 = arith.muli %arg1, %mul3A_19 : i32
    "tpu.region"() ({
      %run_scoped3A = tpu.sem_alloc : memref<!tpu.dma_semaphore, #tpu.memory_space<semaphore_mem>>
      %dma_start3A = arith.constant 0 : i32
      %dma_start3A_21 = tpu.memref_slice %arg5[%arg0, %mul3A_20, %dma_start3A] : memref<2x10240x128xf32, #tpu.memory_space<hbm>> -> memref<1x640x128xf32, #tpu.memory_space<hbm>>
      %dma_start3A_22 = tpu.memref_squeeze %dma_start3A_21 : memref<1x640x128xf32, #tpu.memory_space<hbm>> -> memref<640x128xf32, #tpu.memory_space<hbm>>
      %dma_start3A_23 = arith.constant 0 : i32
      %dma_start3A_24 = tpu.memref_slice %arg10[%mul3A_18, %dma_start3A_23] : memref<10240x128xf32, #tpu.memory_space<vmem_shared>> -> memref<640x128xf32, #tpu.memory_space<vmem_shared>>
      tpu.enqueue_dma source(%dma_start3A_24 : memref<640x128xf32, #tpu.memory_space<vmem_shared>>) target(%dma_start3A_22 : memref<640x128xf32, #tpu.memory_space<hbm>>) target_semaphore(%run_scoped3A : memref<!tpu.dma_semaphore, #tpu.memory_space<semaphore_mem>>)
      %dma_wait3A = arith.constant 0 : i32
      %dma_wait3A_25 = tpu.memref_slice %arg5[%arg0, %mul3A_20, %dma_wait3A] : memref<2x10240x128xf32, #tpu.memory_space<hbm>> -> memref<1x640x128xf32, #tpu.memory_space<hbm>>
      %dma_wait3A_26 = tpu.memref_squeeze %dma_wait3A_25 : memref<1x640x128xf32, #tpu.memory_space<hbm>> -> memref<640x128xf32, #tpu.memory_space<hbm>>
      %dma_wait3A_27 = arith.constant 0 : i32
      %dma_wait3A_28 = tpu.memref_slice %arg10[%mul3A_18, %dma_wait3A_27] : memref<10240x128xf32, #tpu.memory_space<vmem_shared>> -> memref<640x128xf32, #tpu.memory_space<vmem_shared>>
      tpu.wait_dma2 semaphore(%run_scoped3A : memref<!tpu.dma_semaphore, #tpu.memory_space<semaphore_mem>>) src(%dma_wait3A_28 : memref<640x128xf32, #tpu.memory_space<vmem_shared>>) dst(%dma_wait3A_26 : memref<640x128xf32, #tpu.memory_space<hbm>>)
      tpu.yield
    }) : () -> ()
    return
  }
}

#map = affine_map<(d0, d1) -> (0, 0)>
#map1 = affine_map<(d0, d1) -> (0, 0, 0)>
module attributes {stable_mosaic.version = 14 : i64} {
  func.func @k(%arg0: i32, %arg1: i32, %arg2: memref<10000x128xf32, #tpu.memory_space<hbm>>, %arg3: memref<32x125x80xi32, #tpu.memory_space<hbm>>, %arg4: memref<32x125x80xi32, #tpu.memory_space<hbm>>, %arg5: memref<2x10240x128xf32, #tpu.memory_space<hbm>>, %arg6: memref<125x80xi32, #tpu.memory_space<vmem>>, %arg7: memref<125x80xi32, #tpu.memory_space<vmem>>, %arg8: memref<80x128xf32, #tpu.memory_space<vmem>>, %arg9: memref<16x128xf32, #tpu.memory_space<vmem>>, %arg10: memref<10240x128xf32, #tpu.memory_space<vmem_shared>>, %arg11: memref<!tpu.dma_semaphore, #tpu.memory_space<semaphore_mem>>) attributes {dimension_semantics = [#tpu.dimension_semantics<core_parallel>, #tpu.dimension_semantics<subcore_parallel>], iteration_bounds = array<i64: 2, 16>, scalar_prefetch = 0 : i64, scratch_operands = 6 : i64, tpu.core_type = #tpu.core_type<sc_vector_subcore>, window_params = [{transform_indices = #map}, {transform_indices = #map1}, {transform_indices = #map1}, {transform_indices = #map1}]} {
    %mul3A = arith.constant 16 : i32
    %mul3A_0 = arith.muli %arg0, %mul3A : i32
    %add3A = arith.addi %mul3A_0, %arg1 : i32
    %broadcast_in_dim3A = arith.constant 0.000000e+00 : f32
    %broadcast_in_dim3A_1 = vector.broadcast %broadcast_in_dim3A : f32 to vector<16xf32>
    %scan3A = arith.constant 0 : i32
    %scan3A_2 = arith.constant 16 : i32
    %scan3A_3 = arith.addi %scan3A, %scan3A_2 : i32
    %scan3A_4 = arith.constant 1 : i32
    scf.for %scan3A_21 = %scan3A to %scan3A_3 step %scan3A_4  : i32 {
      %mul3A_22 = arith.constant 1 : i32
      %mul3A_23 = arith.muli %scan3A_21, %mul3A_22 : i32
      %add3A_24 = arith.constant 0 : i32
      %add3A_25 = arith.addi %add3A_24, %mul3A_23 : i32
      %scan3A_26 = arith.constant 0 : i32
      %scan3A_27 = arith.constant 8 : i32
      %scan3A_28 = arith.addi %scan3A_26, %scan3A_27 : i32
      %scan3A_29 = arith.constant 1 : i32
      scf.for %scan3A_31 = %scan3A_26 to %scan3A_28 step %scan3A_29  : i32 {
        %mul3A_32 = arith.constant 16 : i32
        %mul3A_33 = arith.muli %scan3A_31, %mul3A_32 : i32
        %add3A_34 = arith.constant 0 : i32
        %add3A_35 = arith.addi %add3A_34, %mul3A_33 : i32
        %swap3A = arith.index_cast %add3A_25 : i32 to index
        %swap3A_36 = arith.index_cast %add3A_35 : i32 to index
        %swap3A_37 = tpu.vector_load %arg9[%swap3A, %swap3A_36] {strides = array<i32>} : memref<16x128xf32, #tpu.memory_space<vmem>>, vector<1x16xf32>,
        %swap3A_38 = vector.shape_cast %swap3A_37 : vector<1x16xf32> to vector<16xf32>
        %swap3A_39 = vector.shape_cast %broadcast_in_dim3A_1 : vector<16xf32> to vector<1x16xf32>
        tpu.vector_store %arg9[%swap3A, %swap3A_36], %swap3A_39 {strides = array<i32>} : memref<16x128xf32, #tpu.memory_space<vmem>>, vector<1x16xf32>,
      }
      %scan3A_30 = arith.constant 8 : i32
    }
    %scan3A_5 = arith.constant 16 : i32
    %scan3A_6 = arith.constant 0 : i32
    %scan3A_7 = arith.constant 40 : i32
    %scan3A_8 = arith.addi %scan3A_6, %scan3A_7 : i32
    %scan3A_9 = arith.constant 1 : i32
    scf.for %scan3A_21 = %scan3A_6 to %scan3A_8 step %scan3A_9  : i32 {
      %mul3A_22 = arith.constant 16 : i32
      %mul3A_23 = arith.muli %scan3A_21, %mul3A_22 : i32
      %add3A_24 = arith.constant 0 : i32
      %add3A_25 = arith.addi %add3A_24, %mul3A_23 : i32
      %mul3A_26 = arith.constant 640 : i32
      %mul3A_27 = arith.muli %arg1, %mul3A_26 : i32
      %add3A_28 = arith.addi %mul3A_27, %add3A_25 : i32
      "tpu.region"() ({
        %run_scoped3A = tpu.sem_alloc : memref<!tpu.dma_semaphore, #tpu.memory_space<semaphore_mem>>
        %dma_start3A = arith.constant 0 : i32
        %dma_start3A_29 = tpu.memref_slice %arg10[%add3A_28, %dma_start3A] : memref<10240x128xf32, #tpu.memory_space<vmem_shared>> -> memref<16x128xf32, #tpu.memory_space<vmem_shared>>
        %dma_start3A_30 = arith.constant 0 : i32
        %dma_start3A_31 = tpu.memref_slice %arg10[%add3A_28, %dma_start3A_30] : memref<10240x128xf32, #tpu.memory_space<vmem_shared>> -> memref<16x128xf32, #tpu.memory_space<vmem_shared>>
        tpu.enqueue_dma source(%arg9 : memref<16x128xf32, #tpu.memory_space<vmem>>) target(%dma_start3A_31 : memref<16x128xf32, #tpu.memory_space<vmem_shared>>) target_semaphore(%run_scoped3A : memref<!tpu.dma_semaphore, #tpu.memory_space<semaphore_mem>>)
        %dma_wait3A = arith.constant 0 : i32
        %dma_wait3A_32 = tpu.memref_slice %arg10[%add3A_28, %dma_wait3A] : memref<10240x128xf32, #tpu.memory_space<vmem_shared>> -> memref<16x128xf32, #tpu.memory_space<vmem_shared>>
        %dma_wait3A_33 = arith.constant 0 : i32
        %dma_wait3A_34 = tpu.memref_slice %arg10[%add3A_28, %dma_wait3A_33] : memref<10240x128xf32, #tpu.memory_space<vmem_shared>> -> memref<16x128xf32, #tpu.memory_space<vmem_shared>>
        tpu.wait_dma2 semaphore(%run_scoped3A : memref<!tpu.dma_semaphore, #tpu.memory_space<semaphore_mem>>) src(%arg9 : memref<16x128xf32, #tpu.memory_space<vmem>>) dst(%dma_wait3A_34 : memref<16x128xf32, #tpu.memory_space<vmem_shared>>)
        tpu.yield
      }) : () -> ()
    }
    %scan3A_10 = arith.constant 40 : i32
    "tpu.region"() ({
      %run_scoped3A = tpu.sem_alloc : memref<!tpu.dma_semaphore, #tpu.memory_space<semaphore_mem>>
      %dma_start3A = arith.constant 0 : i32
      %dma_start3A_21 = arith.constant 0 : i32
      %dma_start3A_22 = tpu.memref_slice %arg3[%add3A, %dma_start3A, %dma_start3A_21] : memref<32x125x80xi32, #tpu.memory_space<hbm>> -> memref<1x125x80xi32, #tpu.memory_space<hbm>>
      %dma_start3A_23 = tpu.memref_squeeze %dma_start3A_22 : memref<1x125x80xi32, #tpu.memory_space<hbm>> -> memref<125x80xi32, #tpu.memory_space<hbm>>
      %dma_start3A_24 = arith.constant 0 : i32
      %dma_start3A_25 = arith.constant 0 : i32
      %dma_start3A_26 = tpu.memref_slice %arg3[%add3A, %dma_start3A_24, %dma_start3A_25] : memref<32x125x80xi32, #tpu.memory_space<hbm>> -> memref<1x125x80xi32, #tpu.memory_space<hbm>>
      %dma_start3A_27 = tpu.memref_squeeze %dma_start3A_26 : memref<1x125x80xi32, #tpu.memory_space<hbm>> -> memref<125x80xi32, #tpu.memory_space<hbm>>
      tpu.enqueue_dma source(%dma_start3A_27 : memref<125x80xi32, #tpu.memory_space<hbm>>) target(%arg6 : memref<125x80xi32, #tpu.memory_space<vmem>>) target_semaphore(%run_scoped3A : memref<!tpu.dma_semaphore, #tpu.memory_space<semaphore_mem>>)
      %dma_wait3A = arith.constant 0 : i32
      %dma_wait3A_28 = arith.constant 0 : i32
      %dma_wait3A_29 = tpu.memref_slice %arg3[%add3A, %dma_wait3A, %dma_wait3A_28] : memref<32x125x80xi32, #tpu.memory_space<hbm>> -> memref<1x125x80xi32, #tpu.memory_space<hbm>>
      %dma_wait3A_30 = tpu.memref_squeeze %dma_wait3A_29 : memref<1x125x80xi32, #tpu.memory_space<hbm>> -> memref<125x80xi32, #tpu.memory_space<hbm>>
      %dma_wait3A_31 = arith.constant 0 : i32
      %dma_wait3A_32 = arith.constant 0 : i32
      %dma_wait3A_33 = tpu.memref_slice %arg3[%add3A, %dma_wait3A_31, %dma_wait3A_32] : memref<32x125x80xi32, #tpu.memory_space<hbm>> -> memref<1x125x80xi32, #tpu.memory_space<hbm>>
      %dma_wait3A_34 = tpu.memref_squeeze %dma_wait3A_33 : memref<1x125x80xi32, #tpu.memory_space<hbm>> -> memref<125x80xi32, #tpu.memory_space<hbm>>
      tpu.wait_dma2 semaphore(%run_scoped3A : memref<!tpu.dma_semaphore, #tpu.memory_space<semaphore_mem>>) src(%dma_wait3A_34 : memref<125x80xi32, #tpu.memory_space<hbm>>) dst(%arg6 : memref<125x80xi32, #tpu.memory_space<vmem>>)
      tpu.yield
    }) : () -> ()
    "tpu.region"() ({
      %run_scoped3A = tpu.sem_alloc : memref<!tpu.dma_semaphore, #tpu.memory_space<semaphore_mem>>
      %dma_start3A = arith.constant 0 : i32
      %dma_start3A_21 = arith.constant 0 : i32
      %dma_start3A_22 = tpu.memref_slice %arg4[%add3A, %dma_start3A, %dma_start3A_21] : memref<32x125x80xi32, #tpu.memory_space<hbm>> -> memref<1x125x80xi32, #tpu.memory_space<hbm>>
      %dma_start3A_23 = tpu.memref_squeeze %dma_start3A_22 : memref<1x125x80xi32, #tpu.memory_space<hbm>> -> memref<125x80xi32, #tpu.memory_space<hbm>>
      %dma_start3A_24 = arith.constant 0 : i32
      %dma_start3A_25 = arith.constant 0 : i32
      %dma_start3A_26 = tpu.memref_slice %arg4[%add3A, %dma_start3A_24, %dma_start3A_25] : memref<32x125x80xi32, #tpu.memory_space<hbm>> -> memref<1x125x80xi32, #tpu.memory_space<hbm>>
      %dma_start3A_27 = tpu.memref_squeeze %dma_start3A_26 : memref<1x125x80xi32, #tpu.memory_space<hbm>> -> memref<125x80xi32, #tpu.memory_space<hbm>>
      tpu.enqueue_dma source(%dma_start3A_27 : memref<125x80xi32, #tpu.memory_space<hbm>>) target(%arg7 : memref<125x80xi32, #tpu.memory_space<vmem>>) target_semaphore(%run_scoped3A : memref<!tpu.dma_semaphore, #tpu.memory_space<semaphore_mem>>)
      %dma_wait3A = arith.constant 0 : i32
      %dma_wait3A_28 = arith.constant 0 : i32
      %dma_wait3A_29 = tpu.memref_slice %arg4[%add3A, %dma_wait3A, %dma_wait3A_28] : memref<32x125x80xi32, #tpu.memory_space<hbm>> -> memref<1x125x80xi32, #tpu.memory_space<hbm>>
      %dma_wait3A_30 = tpu.memref_squeeze %dma_wait3A_29 : memref<1x125x80xi32, #tpu.memory_space<hbm>> -> memref<125x80xi32, #tpu.memory_space<hbm>>
      %dma_wait3A_31 = arith.constant 0 : i32
      %dma_wait3A_32 = arith.constant 0 : i32
      %dma_wait3A_33 = tpu.memref_slice %arg4[%add3A, %dma_wait3A_31, %dma_wait3A_32] : memref<32x125x80xi32, #tpu.memory_space<hbm>> -> memref<1x125x80xi32, #tpu.memory_space<hbm>>
      %dma_wait3A_34 = tpu.memref_squeeze %dma_wait3A_33 : memref<1x125x80xi32, #tpu.memory_space<hbm>> -> memref<125x80xi32, #tpu.memory_space<hbm>>
      tpu.wait_dma2 semaphore(%run_scoped3A : memref<!tpu.dma_semaphore, #tpu.memory_space<semaphore_mem>>) src(%dma_wait3A_34 : memref<125x80xi32, #tpu.memory_space<hbm>>) dst(%arg7 : memref<125x80xi32, #tpu.memory_space<vmem>>)
      tpu.yield
    }) : () -> ()
    %barrier3A = arith.constant 0 : index
    tpu.barrier barrier_id(%barrier3A)
    %scan3A_11 = arith.constant 0 : i32
    %scan3A_12 = arith.constant 125 : i32
    %scan3A_13 = arith.addi %scan3A_11, %scan3A_12 : i32
    %scan3A_14 = arith.constant 1 : i32
    scf.for %scan3A_21 = %scan3A_11 to %scan3A_13 step %scan3A_14  : i32 {
      %mul3A_22 = arith.constant 1 : i32
      %mul3A_23 = arith.muli %scan3A_21, %mul3A_22 : i32
      %add3A_24 = arith.constant 0 : i32
      %add3A_25 = arith.addi %add3A_24, %mul3A_23 : i32
      %dma_start3A = arith.constant 0 : i32
      %dma_start3A_26 = tpu.memref_slice %arg6[%add3A_25, %dma_start3A] : memref<125x80xi32, #tpu.memory_space<vmem>> -> memref<1x80xi32, #tpu.memory_space<vmem>>
      %dma_start3A_27 = tpu.memref_squeeze %dma_start3A_26 : memref<1x80xi32, #tpu.memory_space<vmem>> -> memref<80xi32, #tpu.memory_space<vmem>>
      %dma_start3A_28 = arith.constant 0 : i32
      %dma_start3A_29 = arith.constant 0 : i32
      %dma_start3A_30 = tpu.memref_slice %arg2[%dma_start3A_28, %dma_start3A_29] : memref<10000x128xf32, #tpu.memory_space<hbm>> -> memref<10000x128xf32, #tpu.memory_space<hbm>>
      tpu.enqueue_indirect_dma source(%dma_start3A_30 : memref<10000x128xf32, #tpu.memory_space<hbm>>) target(%arg8 : memref<80x128xf32, #tpu.memory_space<vmem>>) offsets(%dma_start3A_27 : memref<80xi32, #tpu.memory_space<vmem>>) semaphore(%arg11 : memref<!tpu.dma_semaphore, #tpu.memory_space<semaphore_mem>>)
      %dma_wait3A = arith.constant 0 : i32
      %dma_wait3A_31 = tpu.memref_slice %arg6[%add3A_25, %dma_wait3A] : memref<125x80xi32, #tpu.memory_space<vmem>> -> memref<1x80xi32, #tpu.memory_space<vmem>>
      %dma_wait3A_32 = tpu.memref_squeeze %dma_wait3A_31 : memref<1x80xi32, #tpu.memory_space<vmem>> -> memref<80xi32, #tpu.memory_space<vmem>>
      %dma_wait3A_33 = arith.constant 0 : i32
      %dma_wait3A_34 = arith.constant 0 : i32
      %dma_wait3A_35 = tpu.memref_slice %arg2[%dma_wait3A_33, %dma_wait3A_34] : memref<10000x128xf32, #tpu.memory_space<hbm>> -> memref<10000x128xf32, #tpu.memory_space<hbm>>
      tpu.wait_indirect_dma semaphore(%arg11 : memref<!tpu.dma_semaphore, #tpu.memory_space<semaphore_mem>>) src(%dma_wait3A_35 : memref<10000x128xf32, #tpu.memory_space<hbm>>) dst(%arg8 : memref<80x128xf32, #tpu.memory_space<vmem>>)
      "tpu.region"() ({
        %run_scoped3A = tpu.sem_alloc : memref<!tpu.dma_semaphore, #tpu.memory_space<semaphore_mem>>
        %dma_start3A_36 = arith.constant 0 : i32
        %dma_start3A_37 = tpu.memref_slice %arg7[%add3A_25, %dma_start3A_36] : memref<125x80xi32, #tpu.memory_space<vmem>> -> memref<1x80xi32, #tpu.memory_space<vmem>>
        %dma_start3A_38 = tpu.memref_squeeze %dma_start3A_37 : memref<1x80xi32, #tpu.memory_space<vmem>> -> memref<80xi32, #tpu.memory_space<vmem>>
        %dma_start3A_39 = arith.constant 0 : i32
        %dma_start3A_40 = arith.constant 0 : i32
        %dma_start3A_41 = tpu.memref_slice %arg10[%dma_start3A_39, %dma_start3A_40] : memref<10240x128xf32, #tpu.memory_space<vmem_shared>> -> memref<10240x128xf32, #tpu.memory_space<vmem_shared>>
        tpu.enqueue_indirect_dma source(%arg8 : memref<80x128xf32, #tpu.memory_space<vmem>>) target(%dma_start3A_41 : memref<10240x128xf32, #tpu.memory_space<vmem_shared>>) offsets(%dma_start3A_38 : memref<80xi32, #tpu.memory_space<vmem>>) semaphore(%run_scoped3A : memref<!tpu.dma_semaphore, #tpu.memory_space<semaphore_mem>>) {add = true}
        %dma_wait3A_42 = arith.constant 0 : i32
        %dma_wait3A_43 = tpu.memref_slice %arg7[%add3A_25, %dma_wait3A_42] : memref<125x80xi32, #tpu.memory_space<vmem>> -> memref<1x80xi32, #tpu.memory_space<vmem>>
        %dma_wait3A_44 = tpu.memref_squeeze %dma_wait3A_43 : memref<1x80xi32, #tpu.memory_space<vmem>> -> memref<80xi32, #tpu.memory_space<vmem>>
        %dma_wait3A_45 = arith.constant 0 : i32
        %dma_wait3A_46 = arith.constant 0 : i32
        %dma_wait3A_47 = tpu.memref_slice %arg10[%dma_wait3A_45, %dma_wait3A_46] : memref<10240x128xf32, #tpu.memory_space<vmem_shared>> -> memref<10240x128xf32, #tpu.memory_space<vmem_shared>>
        tpu.wait_indirect_dma semaphore(%run_scoped3A : memref<!tpu.dma_semaphore, #tpu.memory_space<semaphore_mem>>) src(%arg8 : memref<80x128xf32, #tpu.memory_space<vmem>>) dst(%dma_wait3A_47 : memref<10240x128xf32, #tpu.memory_space<vmem_shared>>)
        tpu.yield
      }) : () -> ()
    }
    %scan3A_15 = arith.constant 125 : i32
    %barrier3A_16 = arith.constant 0 : index
    tpu.barrier barrier_id(%barrier3A_16)
    %mul3A_17 = arith.constant 640 : i32
    %mul3A_18 = arith.muli %arg1, %mul3A_17 : i32
    %mul3A_19 = arith.constant 640 : i32
    %mul3A_20 = arith.muli %arg1, %mul3A_19 : i32
    "tpu.region"() ({
      %run_scoped3A = tpu.sem_alloc : memref<!tpu.dma_semaphore, #tpu.memory_space<semaphore_mem>>
      %dma_start3A = arith.constant 0 : i32
      %dma_start3A_21 = tpu.memref_slice %arg5[%arg0, %mul3A_20, %dma_start3A] : memref<2x10240x128xf32, #tpu.memory_space<hbm>> -> memref<1x640x128xf32, #tpu.memory_space<hbm>>
      %dma_start3A_22 = tpu.memref_squeeze %dma_start3A_21 : memref<1x640x128xf32, #tpu.memory_space<hbm>> -> memref<640x128xf32, #tpu.memory_space<hbm>>
      %dma_start3A_23 = arith.constant 0 : i32
      %dma_start3A_24 = tpu.memref_slice %arg10[%mul3A_18, %dma_start3A_23] : memref<10240x128xf32, #tpu.memory_space<vmem_shared>> -> memref<640x128xf32, #tpu.memory_space<vmem_shared>>
      tpu.enqueue_dma source(%dma_start3A_24 : memref<640x128xf32, #tpu.memory_space<vmem_shared>>) target(%dma_start3A_22 : memref<640x128xf32, #tpu.memory_space<hbm>>) target_semaphore(%run_scoped3A : memref<!tpu.dma_semaphore, #tpu.memory_space<semaphore_mem>>)
      %dma_wait3A = arith.constant 0 : i32
      %dma_wait3A_25 = tpu.memref_slice %arg5[%arg0, %mul3A_20, %dma_wait3A] : memref<2x10240x128xf32, #tpu.memory_space<hbm>> -> memref<1x640x128xf32, #tpu.memory_space<hbm>>
      %dma_wait3A_26 = tpu.memref_squeeze %dma_wait3A_25 : memref<1x640x128xf32, #tpu.memory_space<hbm>> -> memref<640x128xf32, #tpu.memory_space<hbm>>
      %dma_wait3A_27 = arith.constant 0 : i32
      %dma_wait3A_28 = tpu.memref_slice %arg10[%mul3A_18, %dma_wait3A_27] : memref<10240x128xf32, #tpu.memory_space<vmem_shared>> -> memref<640x128xf32, #tpu.memory_space<vmem_shared>>
      tpu.wait_dma2 semaphore(%run_scoped3A : memref<!tpu.dma_semaphore, #tpu.memory_space<semaphore_mem>>) src(%dma_wait3A_28 : memref<640x128xf32, #tpu.memory_space<vmem_shared>>) dst(%dma_wait3A_26 : memref<640x128xf32, #tpu.memory_space<hbm>>)
      tpu.yield
    }) : () -> ()
    return
  }
}

#map = affine_map<(d0, d1) -> (0, 0)>
#map1 = affine_map<(d0, d1) -> (0, 0, 0)>
module attributes {stable_mosaic.version = 14 : i64} {
  func.func @k(%arg0: i32, %arg1: i32, %arg2: memref<10000x128xf32, #tpu.memory_space<hbm>>, %arg3: memref<32x125x80xi32, #tpu.memory_space<hbm>>, %arg4: memref<32x125x80xi32, #tpu.memory_space<hbm>>, %arg5: memref<2x10240x128xf32, #tpu.memory_space<hbm>>, %arg6: memref<125x80xi32, #tpu.memory_space<vmem>>, %arg7: memref<125x80xi32, #tpu.memory_space<vmem>>, %arg8: memref<80x128xf32, #tpu.memory_space<vmem>>, %arg9: memref<16x128xf32, #tpu.memory_space<vmem>>, %arg10: memref<10240x128xf32, #tpu.memory_space<vmem_shared>>, %arg11: memref<!tpu.dma_semaphore, #tpu.memory_space<semaphore_mem>>) attributes {dimension_semantics = [#tpu.dimension_semantics<core_parallel>, #tpu.dimension_semantics<subcore_parallel>], iteration_bounds = array<i64: 2, 16>, scalar_prefetch = 0 : i64, scratch_operands = 6 : i64, tpu.core_type = #tpu.core_type<sc_vector_subcore>, window_params = [{transform_indices = #map}, {transform_indices = #map1}, {transform_indices = #map1}, {transform_indices = #map1}]} {
    %mul3A = arith.constant 16 : i32
    %mul3A_0 = arith.muli %arg0, %mul3A : i32
    %add3A = arith.addi %mul3A_0, %arg1 : i32
    %broadcast_in_dim3A = arith.constant 0.000000e+00 : f32
    %broadcast_in_dim3A_1 = vector.broadcast %broadcast_in_dim3A : f32 to vector<16xf32>
    %scan3A = arith.constant 0 : i32
    %scan3A_2 = arith.constant 16 : i32
    %scan3A_3 = arith.addi %scan3A, %scan3A_2 : i32
    %scan3A_4 = arith.constant 1 : i32
    scf.for %scan3A_21 = %scan3A to %scan3A_3 step %scan3A_4  : i32 {
      %mul3A_22 = arith.constant 1 : i32
      %mul3A_23 = arith.muli %scan3A_21, %mul3A_22 : i32
      %add3A_24 = arith.constant 0 : i32
      %add3A_25 = arith.addi %add3A_24, %mul3A_23 : i32
      %scan3A_26 = arith.constant 0 : i32
      %scan3A_27 = arith.constant 8 : i32
      %scan3A_28 = arith.addi %scan3A_26, %scan3A_27 : i32
      %scan3A_29 = arith.constant 1 : i32
      scf.for %scan3A_31 = %scan3A_26 to %scan3A_28 step %scan3A_29  : i32 {
        %mul3A_32 = arith.constant 16 : i32
        %mul3A_33 = arith.muli %scan3A_31, %mul3A_32 : i32
        %add3A_34 = arith.constant 0 : i32
        %add3A_35 = arith.addi %add3A_34, %mul3A_33 : i32
        %swap3A = arith.index_cast %add3A_25 : i32 to index
        %swap3A_36 = arith.index_cast %add3A_35 : i32 to index
        %swap3A_37 = tpu.vector_load %arg9[%swap3A, %swap3A_36] {strides = array<i32>} : memref<16x128xf32, #tpu.memory_space<vmem>>, vector<1x16xf32>,
        %swap3A_38 = vector.shape_cast %swap3A_37 : vector<1x16xf32> to vector<16xf32>
        %swap3A_39 = vector.shape_cast %broadcast_in_dim3A_1 : vector<16xf32> to vector<1x16xf32>
        tpu.vector_store %arg9[%swap3A, %swap3A_36], %swap3A_39 {strides = array<i32>} : memref<16x128xf32, #tpu.memory_space<vmem>>, vector<1x16xf32>,
      }
      %scan3A_30 = arith.constant 8 : i32
    }
    %scan3A_5 = arith.constant 16 : i32
    %scan3A_6 = arith.constant 0 : i32
    %scan3A_7 = arith.constant 40 : i32
    %scan3A_8 = arith.addi %scan3A_6, %scan3A_7 : i32
    %scan3A_9 = arith.constant 1 : i32
    scf.for %scan3A_21 = %scan3A_6 to %scan3A_8 step %scan3A_9  : i32 {
      %mul3A_22 = arith.constant 16 : i32
      %mul3A_23 = arith.muli %scan3A_21, %mul3A_22 : i32
      %add3A_24 = arith.constant 0 : i32
      %add3A_25 = arith.addi %add3A_24, %mul3A_23 : i32
      %mul3A_26 = arith.constant 640 : i32
      %mul3A_27 = arith.muli %arg1, %mul3A_26 : i32
      %add3A_28 = arith.addi %mul3A_27, %add3A_25 : i32
      "tpu.region"() ({
        %run_scoped3A = tpu.sem_alloc : memref<!tpu.dma_semaphore, #tpu.memory_space<semaphore_mem>>
        %dma_start3A = arith.constant 0 : i32
        %dma_start3A_29 = tpu.memref_slice %arg10[%add3A_28, %dma_start3A] : memref<10240x128xf32, #tpu.memory_space<vmem_shared>> -> memref<16x128xf32, #tpu.memory_space<vmem_shared>>
        %dma_start3A_30 = arith.constant 0 : i32
        %dma_start3A_31 = tpu.memref_slice %arg10[%add3A_28, %dma_start3A_30] : memref<10240x128xf32, #tpu.memory_space<vmem_shared>> -> memref<16x128xf32, #tpu.memory_space<vmem_shared>>
        tpu.enqueue_dma source(%arg9 : memref<16x128xf32, #tpu.memory_space<vmem>>) target(%dma_start3A_31 : memref<16x128xf32, #tpu.memory_space<vmem_shared>>) target_semaphore(%run_scoped3A : memref<!tpu.dma_semaphore, #tpu.memory_space<semaphore_mem>>)
        %dma_wait3A = arith.constant 0 : i32
        %dma_wait3A_32 = tpu.memref_slice %arg10[%add3A_28, %dma_wait3A] : memref<10240x128xf32, #tpu.memory_space<vmem_shared>> -> memref<16x128xf32, #tpu.memory_space<vmem_shared>>
        %dma_wait3A_33 = arith.constant 0 : i32
        %dma_wait3A_34 = tpu.memref_slice %arg10[%add3A_28, %dma_wait3A_33] : memref<10240x128xf32, #tpu.memory_space<vmem_shared>> -> memref<16x128xf32, #tpu.memory_space<vmem_shared>>
        tpu.wait_dma2 semaphore(%run_scoped3A : memref<!tpu.dma_semaphore, #tpu.memory_space<semaphore_mem>>) src(%arg9 : memref<16x128xf32, #tpu.memory_space<vmem>>) dst(%dma_wait3A_34 : memref<16x128xf32, #tpu.memory_space<vmem_shared>>)
        tpu.yield
      }) : () -> ()
    }
    %scan3A_10 = arith.constant 40 : i32
    "tpu.region"() ({
      %run_scoped3A = tpu.sem_alloc : memref<!tpu.dma_semaphore, #tpu.memory_space<semaphore_mem>>
      %dma_start3A = arith.constant 0 : i32
      %dma_start3A_21 = arith.constant 0 : i32
      %dma_start3A_22 = tpu.memref_slice %arg3[%add3A, %dma_start3A, %dma_start3A_21] : memref<32x125x80xi32, #tpu.memory_space<hbm>> -> memref<1x125x80xi32, #tpu.memory_space<hbm>>
      %dma_start3A_23 = tpu.memref_squeeze %dma_start3A_22 : memref<1x125x80xi32, #tpu.memory_space<hbm>> -> memref<125x80xi32, #tpu.memory_space<hbm>>
      %dma_start3A_24 = arith.constant 0 : i32
      %dma_start3A_25 = arith.constant 0 : i32
      %dma_start3A_26 = tpu.memref_slice %arg3[%add3A, %dma_start3A_24, %dma_start3A_25] : memref<32x125x80xi32, #tpu.memory_space<hbm>> -> memref<1x125x80xi32, #tpu.memory_space<hbm>>
      %dma_start3A_27 = tpu.memref_squeeze %dma_start3A_26 : memref<1x125x80xi32, #tpu.memory_space<hbm>> -> memref<125x80xi32, #tpu.memory_space<hbm>>
      tpu.enqueue_dma source(%dma_start3A_27 : memref<125x80xi32, #tpu.memory_space<hbm>>) target(%arg6 : memref<125x80xi32, #tpu.memory_space<vmem>>) target_semaphore(%run_scoped3A : memref<!tpu.dma_semaphore, #tpu.memory_space<semaphore_mem>>)
      %dma_wait3A = arith.constant 0 : i32
      %dma_wait3A_28 = arith.constant 0 : i32
      %dma_wait3A_29 = tpu.memref_slice %arg3[%add3A, %dma_wait3A, %dma_wait3A_28] : memref<32x125x80xi32, #tpu.memory_space<hbm>> -> memref<1x125x80xi32, #tpu.memory_space<hbm>>
      %dma_wait3A_30 = tpu.memref_squeeze %dma_wait3A_29 : memref<1x125x80xi32, #tpu.memory_space<hbm>> -> memref<125x80xi32, #tpu.memory_space<hbm>>
      %dma_wait3A_31 = arith.constant 0 : i32
      %dma_wait3A_32 = arith.constant 0 : i32
      %dma_wait3A_33 = tpu.memref_slice %arg3[%add3A, %dma_wait3A_31, %dma_wait3A_32] : memref<32x125x80xi32, #tpu.memory_space<hbm>> -> memref<1x125x80xi32, #tpu.memory_space<hbm>>
      %dma_wait3A_34 = tpu.memref_squeeze %dma_wait3A_33 : memref<1x125x80xi32, #tpu.memory_space<hbm>> -> memref<125x80xi32, #tpu.memory_space<hbm>>
      tpu.wait_dma2 semaphore(%run_scoped3A : memref<!tpu.dma_semaphore, #tpu.memory_space<semaphore_mem>>) src(%dma_wait3A_34 : memref<125x80xi32, #tpu.memory_space<hbm>>) dst(%arg6 : memref<125x80xi32, #tpu.memory_space<vmem>>)
      tpu.yield
    }) : () -> ()
    "tpu.region"() ({
      %run_scoped3A = tpu.sem_alloc : memref<!tpu.dma_semaphore, #tpu.memory_space<semaphore_mem>>
      %dma_start3A = arith.constant 0 : i32
      %dma_start3A_21 = arith.constant 0 : i32
      %dma_start3A_22 = tpu.memref_slice %arg4[%add3A, %dma_start3A, %dma_start3A_21] : memref<32x125x80xi32, #tpu.memory_space<hbm>> -> memref<1x125x80xi32, #tpu.memory_space<hbm>>
      %dma_start3A_23 = tpu.memref_squeeze %dma_start3A_22 : memref<1x125x80xi32, #tpu.memory_space<hbm>> -> memref<125x80xi32, #tpu.memory_space<hbm>>
      %dma_start3A_24 = arith.constant 0 : i32
      %dma_start3A_25 = arith.constant 0 : i32
      %dma_start3A_26 = tpu.memref_slice %arg4[%add3A, %dma_start3A_24, %dma_start3A_25] : memref<32x125x80xi32, #tpu.memory_space<hbm>> -> memref<1x125x80xi32, #tpu.memory_space<hbm>>
      %dma_start3A_27 = tpu.memref_squeeze %dma_start3A_26 : memref<1x125x80xi32, #tpu.memory_space<hbm>> -> memref<125x80xi32, #tpu.memory_space<hbm>>
      tpu.enqueue_dma source(%dma_start3A_27 : memref<125x80xi32, #tpu.memory_space<hbm>>) target(%arg7 : memref<125x80xi32, #tpu.memory_space<vmem>>) target_semaphore(%run_scoped3A : memref<!tpu.dma_semaphore, #tpu.memory_space<semaphore_mem>>)
      %dma_wait3A = arith.constant 0 : i32
      %dma_wait3A_28 = arith.constant 0 : i32
      %dma_wait3A_29 = tpu.memref_slice %arg4[%add3A, %dma_wait3A, %dma_wait3A_28] : memref<32x125x80xi32, #tpu.memory_space<hbm>> -> memref<1x125x80xi32, #tpu.memory_space<hbm>>
      %dma_wait3A_30 = tpu.memref_squeeze %dma_wait3A_29 : memref<1x125x80xi32, #tpu.memory_space<hbm>> -> memref<125x80xi32, #tpu.memory_space<hbm>>
      %dma_wait3A_31 = arith.constant 0 : i32
      %dma_wait3A_32 = arith.constant 0 : i32
      %dma_wait3A_33 = tpu.memref_slice %arg4[%add3A, %dma_wait3A_31, %dma_wait3A_32] : memref<32x125x80xi32, #tpu.memory_space<hbm>> -> memref<1x125x80xi32, #tpu.memory_space<hbm>>
      %dma_wait3A_34 = tpu.memref_squeeze %dma_wait3A_33 : memref<1x125x80xi32, #tpu.memory_space<hbm>> -> memref<125x80xi32, #tpu.memory_space<hbm>>
      tpu.wait_dma2 semaphore(%run_scoped3A : memref<!tpu.dma_semaphore, #tpu.memory_space<semaphore_mem>>) src(%dma_wait3A_34 : memref<125x80xi32, #tpu.memory_space<hbm>>) dst(%arg7 : memref<125x80xi32, #tpu.memory_space<vmem>>)
      tpu.yield
    }) : () -> ()
    %barrier3A = arith.constant 0 : index
    tpu.barrier barrier_id(%barrier3A)
    %scan3A_11 = arith.constant 0 : i32
    %scan3A_12 = arith.constant 125 : i32
    %scan3A_13 = arith.addi %scan3A_11, %scan3A_12 : i32
    %scan3A_14 = arith.constant 1 : i32
    scf.for %scan3A_21 = %scan3A_11 to %scan3A_13 step %scan3A_14  : i32 {
      %mul3A_22 = arith.constant 1 : i32
      %mul3A_23 = arith.muli %scan3A_21, %mul3A_22 : i32
      %add3A_24 = arith.constant 0 : i32
      %add3A_25 = arith.addi %add3A_24, %mul3A_23 : i32
      %dma_start3A = arith.constant 0 : i32
      %dma_start3A_26 = tpu.memref_slice %arg6[%add3A_25, %dma_start3A] : memref<125x80xi32, #tpu.memory_space<vmem>> -> memref<1x80xi32, #tpu.memory_space<vmem>>
      %dma_start3A_27 = tpu.memref_squeeze %dma_start3A_26 : memref<1x80xi32, #tpu.memory_space<vmem>> -> memref<80xi32, #tpu.memory_space<vmem>>
      %dma_start3A_28 = arith.constant 0 : i32
      %dma_start3A_29 = arith.constant 0 : i32
      %dma_start3A_30 = tpu.memref_slice %arg2[%dma_start3A_28, %dma_start3A_29] : memref<10000x128xf32, #tpu.memory_space<hbm>> -> memref<10000x128xf32, #tpu.memory_space<hbm>>
      tpu.enqueue_indirect_dma source(%dma_start3A_30 : memref<10000x128xf32, #tpu.memory_space<hbm>>) target(%arg8 : memref<80x128xf32, #tpu.memory_space<vmem>>) offsets(%dma_start3A_27 : memref<80xi32, #tpu.memory_space<vmem>>) semaphore(%arg11 : memref<!tpu.dma_semaphore, #tpu.memory_space<semaphore_mem>>)
      %dma_wait3A = arith.constant 0 : i32
      %dma_wait3A_31 = tpu.memref_slice %arg6[%add3A_25, %dma_wait3A] : memref<125x80xi32, #tpu.memory_space<vmem>> -> memref<1x80xi32, #tpu.memory_space<vmem>>
      %dma_wait3A_32 = tpu.memref_squeeze %dma_wait3A_31 : memref<1x80xi32, #tpu.memory_space<vmem>> -> memref<80xi32, #tpu.memory_space<vmem>>
      %dma_wait3A_33 = arith.constant 0 : i32
      %dma_wait3A_34 = arith.constant 0 : i32
      %dma_wait3A_35 = tpu.memref_slice %arg2[%dma_wait3A_33, %dma_wait3A_34] : memref<10000x128xf32, #tpu.memory_space<hbm>> -> memref<10000x128xf32, #tpu.memory_space<hbm>>
      tpu.wait_indirect_dma semaphore(%arg11 : memref<!tpu.dma_semaphore, #tpu.memory_space<semaphore_mem>>) src(%dma_wait3A_35 : memref<10000x128xf32, #tpu.memory_space<hbm>>) dst(%arg8 : memref<80x128xf32, #tpu.memory_space<vmem>>)
      "tpu.region"() ({
        %run_scoped3A = tpu.sem_alloc : memref<!tpu.dma_semaphore, #tpu.memory_space<semaphore_mem>>
        %dma_start3A_36 = arith.constant 0 : i32
        %dma_start3A_37 = tpu.memref_slice %arg7[%add3A_25, %dma_start3A_36] : memref<125x80xi32, #tpu.memory_space<vmem>> -> memref<1x80xi32, #tpu.memory_space<vmem>>
        %dma_start3A_38 = tpu.memref_squeeze %dma_start3A_37 : memref<1x80xi32, #tpu.memory_space<vmem>> -> memref<80xi32, #tpu.memory_space<vmem>>
        %dma_start3A_39 = arith.constant 0 : i32
        %dma_start3A_40 = arith.constant 0 : i32
        %dma_start3A_41 = tpu.memref_slice %arg10[%dma_start3A_39, %dma_start3A_40] : memref<10240x128xf32, #tpu.memory_space<vmem_shared>> -> memref<10240x128xf32, #tpu.memory_space<vmem_shared>>
        tpu.enqueue_indirect_dma source(%arg8 : memref<80x128xf32, #tpu.memory_space<vmem>>) target(%dma_start3A_41 : memref<10240x128xf32, #tpu.memory_space<vmem_shared>>) offsets(%dma_start3A_38 : memref<80xi32, #tpu.memory_space<vmem>>) semaphore(%run_scoped3A : memref<!tpu.dma_semaphore, #tpu.memory_space<semaphore_mem>>) {add = true}
        %dma_wait3A_42 = arith.constant 0 : i32
        %dma_wait3A_43 = tpu.memref_slice %arg7[%add3A_25, %dma_wait3A_42] : memref<125x80xi32, #tpu.memory_space<vmem>> -> memref<1x80xi32, #tpu.memory_space<vmem>>
        %dma_wait3A_44 = tpu.memref_squeeze %dma_wait3A_43 : memref<1x80xi32, #tpu.memory_space<vmem>> -> memref<80xi32, #tpu.memory_space<vmem>>
        %dma_wait3A_45 = arith.constant 0 : i32
        %dma_wait3A_46 = arith.constant 0 : i32
        %dma_wait3A_47 = tpu.memref_slice %arg10[%dma_wait3A_45, %dma_wait3A_46] : memref<10240x128xf32, #tpu.memory_space<vmem_shared>> -> memref<10240x128xf32, #tpu.memory_space<vmem_shared>>
        tpu.wait_indirect_dma semaphore(%run_scoped3A : memref<!tpu.dma_semaphore, #tpu.memory_space<semaphore_mem>>) src(%arg8 : memref<80x128xf32, #tpu.memory_space<vmem>>) dst(%dma_wait3A_47 : memref<10240x128xf32, #tpu.memory_space<vmem_shared>>)
        tpu.yield
      }) : () -> ()
    }
    %scan3A_15 = arith.constant 125 : i32
    %barrier3A_16 = arith.constant 0 : index
    tpu.barrier barrier_id(%barrier3A_16)
    %mul3A_17 = arith.constant 640 : i32
    %mul3A_18 = arith.muli %arg1, %mul3A_17 : i32
    %mul3A_19 = arith.constant 640 : i32
    %mul3A_20 = arith.muli %arg1, %mul3A_19 : i32
    "tpu.region"() ({
      %run_scoped3A = tpu.sem_alloc : memref<!tpu.dma_semaphore, #tpu.memory_space<semaphore_mem>>
      %dma_start3A = arith.constant 0 : i32
      %dma_start3A_21 = tpu.memref_slice %arg5[%arg0, %mul3A_20, %dma_start3A] : memref<2x10240x128xf32, #tpu.memory_space<hbm>> -> memref<1x640x128xf32, #tpu.memory_space<hbm>>
      %dma_start3A_22 = tpu.memref_squeeze %dma_start3A_21 : memref<1x640x128xf32, #tpu.memory_space<hbm>> -> memref<640x128xf32, #tpu.memory_space<hbm>>
      %dma_start3A_23 = arith.constant 0 : i32
      %dma_start3A_24 = tpu.memref_slice %arg10[%mul3A_18, %dma_start3A_23] : memref<10240x128xf32, #tpu.memory_space<vmem_shared>> -> memref<640x128xf32, #tpu.memory_space<vmem_shared>>
      tpu.enqueue_dma source(%dma_start3A_24 : memref<640x128xf32, #tpu.memory_space<vmem_shared>>) target(%dma_start3A_22 : memref<640x128xf32, #tpu.memory_space<hbm>>) target_semaphore(%run_scoped3A : memref<!tpu.dma_semaphore, #tpu.memory_space<semaphore_mem>>)
      %dma_wait3A = arith.constant 0 : i32
      %dma_wait3A_25 = tpu.memref_slice %arg5[%arg0, %mul3A_20, %dma_wait3A] : memref<2x10240x128xf32, #tpu.memory_space<hbm>> -> memref<1x640x128xf32, #tpu.memory_space<hbm>>
      %dma_wait3A_26 = tpu.memref_squeeze %dma_wait3A_25 : memref<1x640x128xf32, #tpu.memory_space<hbm>> -> memref<640x128xf32, #tpu.memory_space<hbm>>
      %dma_wait3A_27 = arith.constant 0 : i32
      %dma_wait3A_28 = tpu.memref_slice %arg10[%mul3A_18, %dma_wait3A_27] : memref<10240x128xf32, #tpu.memory_space<vmem_shared>> -> memref<640x128xf32, #tpu.memory_space<vmem_shared>>
      tpu.wait_dma2 semaphore(%run_scoped3A : memref<!tpu.dma_semaphore, #tpu.memory_space<semaphore_mem>>) src(%dma_wait3A_28 : memref<640x128xf32, #tpu.memory_space<vmem_shared>>) dst(%dma_wait3A_26 : memref<640x128xf32, #tpu.memory_space<hbm>>)
      tpu.yield
    }) : () -> ()
    return
  }
}

module attributes {stable_mosaic.version = 14 : i64} {
  func.func @body(%arg0: memref<10000x128xf32, #tpu.memory_space<vmem>>, %arg1: memref<2x10000x128xf32, #tpu.memory_space<vmem>>, %arg2: memref<128x256xf32, #tpu.memory_space<vmem>>, %arg3: memref<1x256xf32, #tpu.memory_space<vmem>>, %arg4: memref<1x256xf32, #tpu.memory_space<vmem>>, %arg5: memref<1x256xf32, #tpu.memory_space<vmem>>, %arg6: memref<256x128xf32, #tpu.memory_space<vmem>>, %arg7: memref<1x128xf32, #tpu.memory_space<vmem>>, %arg8: memref<1x128xf32, #tpu.memory_space<vmem>>, %arg9: memref<1x128xf32, #tpu.memory_space<vmem>>, %arg10: memref<10000x128xf32, #tpu.memory_space<vmem>>, %arg11: memref<10000x256xf32, #tpu.memory_space<vmem>>, %arg12: memref<10000x128xf32, #tpu.memory_space<vmem>>) attributes {dimension_semantics = [], scalar_prefetch = 0 : i64, scratch_operands = 2 : i64, tpu.core_type = #tpu.core_type<tc>} {
    %get3A = arith.constant 0 : index
    %get3A_0 = arith.constant 0 : index
    %get3A_1 = vector.load %arg0[%get3A, %get3A_0] : memref<10000x128xf32, #tpu.memory_space<vmem>>, vector<10000x128xf32>
    %get3A_2 = arith.constant 0 : index
    %get3A_3 = arith.constant 0 : index
    %get3A_4 = arith.constant 0 : index
    %get3A_5 = vector.load %arg1[%get3A_2, %get3A_3, %get3A_4] : memref<2x10000x128xf32, #tpu.memory_space<vmem>>, vector<1x10000x128xf32>
    %get3A_6 = vector.shape_cast %get3A_5 : vector<1x10000x128xf32> to vector<10000x128xf32>
    %get3A_7 = arith.constant 1 : index
    %get3A_8 = arith.constant 0 : index
    %get3A_9 = arith.constant 0 : index
    %get3A_10 = vector.load %arg1[%get3A_7, %get3A_8, %get3A_9] : memref<2x10000x128xf32, #tpu.memory_space<vmem>>, vector<1x10000x128xf32>
    %get3A_11 = vector.shape_cast %get3A_10 : vector<1x10000x128xf32> to vector<10000x128xf32>
    %add3A = arith.addf %get3A_6, %get3A_11 : vector<10000x128xf32>
    %add3A_12 = arith.addf %get3A_1, %add3A : vector<10000x128xf32>
    %get3A_13 = arith.constant 0 : index
    %get3A_14 = arith.constant 0 : index
    %get3A_15 = vector.load %arg2[%get3A_13, %get3A_14] : memref<128x256xf32, #tpu.memory_space<vmem>>, vector<128x256xf32>
    %dot_general3A = arith.constant dense<0.000000e+00> : vector<10000x256xf32>
    %dot_general3A_16 = tpu.matmul %add3A_12, %get3A_15, %dot_general3A {dimension_numbers = #tpu.dot_dimension_numbers<[1], [0], [0], [1], [0, 0, 1, 1], [], []>, transpose_lhs_hint = false} : vector<10000x128xf32>, vector<128x256xf32>, vector<10000x256xf32> -> vector<10000x256xf32>
    %get3A_17 = arith.constant 0 : index
    %get3A_18 = arith.constant 0 : index
    %get3A_19 = vector.load %arg3[%get3A_17, %get3A_18] : memref<1x256xf32, #tpu.memory_space<vmem>>, vector<1x256xf32>
    %add3A_20 = vector.broadcast %get3A_19 : vector<1x256xf32> to vector<10000x256xf32>
    %add3A_21 = arith.addf %dot_general3A_16, %add3A_20 : vector<10000x256xf32>
    %get3A_22 = arith.constant 0 : index
    %get3A_23 = arith.constant 0 : index
    %get3A_24 = vector.load %arg4[%get3A_22, %get3A_23] : memref<1x256xf32, #tpu.memory_space<vmem>>, vector<1x256xf32>
    %get3A_25 = arith.constant 0 : index
    %get3A_26 = arith.constant 0 : index
    %get3A_27 = vector.load %arg5[%get3A_25, %get3A_26] : memref<1x256xf32, #tpu.memory_space<vmem>>, vector<1x256xf32>
    %swap3A = arith.constant 0 : index
    %swap3A_28 = arith.constant 0 : index
    %swap3A_29 = vector.load %arg11[%swap3A, %swap3A_28] : memref<10000x256xf32, #tpu.memory_space<vmem>>, vector<10000x256xf32>
    tpu.vector_store %arg11[%swap3A, %swap3A_28], %add3A_21 {strides = array<i32>} : memref<10000x256xf32, #tpu.memory_space<vmem>>, vector<10000x256xf32>,
    %broadcast_in_dim3A = arith.constant 0.000000e+00 : f32
    %broadcast_in_dim3A_30 = vector.broadcast %broadcast_in_dim3A : f32 to vector<8x256xf32>
    %scan3A = arith.constant 0 : i32
    %scan3A_31 = arith.constant 625 : i32
    %scan3A_32 = arith.addi %scan3A, %scan3A_31 : i32
    %scan3A_33 = arith.constant 1 : i32
    %scan3A_34 = scf.for %scan3A_238 = %scan3A to %scan3A_32 step %scan3A_33 iter_args(%scan3A_239 = %broadcast_in_dim3A_30) -> (vector<8x256xf32>)  : i32 {
      %mul3A_240 = arith.constant 8 : i32
      %mul3A_241 = arith.muli %scan3A_238, %mul3A_240 : i32
      %add3A_242 = arith.constant 0 : i32
      %add3A_243 = arith.addi %add3A_242, %mul3A_241 : i32
      %get3A_244 = arith.index_cast %add3A_243 : i32 to index
      %get3A_245 = arith.constant 0 : index
      %get3A_246 = vector.load %arg11[%get3A_244, %get3A_245] : memref<10000x256xf32, #tpu.memory_space<vmem>>, vector<8x256xf32>
      %add3A_247 = arith.addf %scan3A_239, %get3A_246 : vector<8x256xf32>
      scf.yield %add3A_247 : vector<8x256xf32>
    }
    %scan3A_35 = arith.constant 625 : i32
    %slice3A = vector.extract_strided_slice %scan3A_34 {offsets = [0, 0], sizes = [4, 256], strides = [1, 1]} : vector<8x256xf32> to vector<4x256xf32>
    %slice3A_36 = vector.extract_strided_slice %scan3A_34 {offsets = [4, 0], sizes = [4, 256], strides = [1, 1]} : vector<8x256xf32> to vector<4x256xf32>
    %add3A_37 = arith.addf %slice3A, %slice3A_36 : vector<4x256xf32>
    %slice3A_38 = vector.extract_strided_slice %add3A_37 {offsets = [0, 0], sizes = [2, 256], strides = [1, 1]} : vector<4x256xf32> to vector<2x256xf32>
    %slice3A_39 = vector.extract_strided_slice %add3A_37 {offsets = [2, 0], sizes = [2, 256], strides = [1, 1]} : vector<4x256xf32> to vector<2x256xf32>
    %add3A_40 = arith.addf %slice3A_38, %slice3A_39 : vector<2x256xf32>
    %slice3A_41 = vector.extract_strided_slice %add3A_40 {offsets = [0, 0], sizes = [1, 256], strides = [1, 1]} : vector<2x256xf32> to vector<1x256xf32>
    %slice3A_42 = vector.extract_strided_slice %add3A_40 {offsets = [1, 0], sizes = [1, 256], strides = [1, 1]} : vector<2x256xf32> to vector<1x256xf32>
    %add3A_43 = arith.addf %slice3A_41, %slice3A_42 : vector<1x256xf32>
    %broadcast_in_dim3A_44 = arith.constant 0.000000e+00 : f32
    %broadcast_in_dim3A_45 = vector.broadcast %broadcast_in_dim3A_44 : f32 to vector<8x256xf32>
    %scan3A_46 = arith.constant 0 : i32
    %scan3A_47 = arith.constant 625 : i32
    %scan3A_48 = arith.addi %scan3A_46, %scan3A_47 : i32
    %scan3A_49 = arith.constant 1 : i32
    %scan3A_50 = scf.for %scan3A_238 = %scan3A_46 to %scan3A_48 step %scan3A_49 iter_args(%scan3A_239 = %broadcast_in_dim3A_45) -> (vector<8x256xf32>)  : i32 {
      %mul3A_240 = arith.constant 8 : i32
      %mul3A_241 = arith.muli %scan3A_238, %mul3A_240 : i32
      %add3A_242 = arith.constant 5000 : i32
      %add3A_243 = arith.addi %add3A_242, %mul3A_241 : i32
      %get3A_244 = arith.index_cast %add3A_243 : i32 to index
      %get3A_245 = arith.constant 0 : index
      %get3A_246 = vector.load %arg11[%get3A_244, %get3A_245] : memref<10000x256xf32, #tpu.memory_space<vmem>>, vector<8x256xf32>
      %add3A_247 = arith.addf %scan3A_239, %get3A_246 : vector<8x256xf32>
      scf.yield %add3A_247 : vector<8x256xf32>
    }
    %scan3A_51 = arith.constant 625 : i32
    %slice3A_52 = vector.extract_strided_slice %scan3A_50 {offsets = [0, 0], sizes = [4, 256], strides = [1, 1]} : vector<8x256xf32> to vector<4x256xf32>
    %slice3A_53 = vector.extract_strided_slice %scan3A_50 {offsets = [4, 0], sizes = [4, 256], strides = [1, 1]} : vector<8x256xf32> to vector<4x256xf32>
    %add3A_54 = arith.addf %slice3A_52, %slice3A_53 : vector<4x256xf32>
    %slice3A_55 = vector.extract_strided_slice %add3A_54 {offsets = [0, 0], sizes = [2, 256], strides = [1, 1]} : vector<4x256xf32> to vector<2x256xf32>
    %slice3A_56 = vector.extract_strided_slice %add3A_54 {offsets = [2, 0], sizes = [2, 256], strides = [1, 1]} : vector<4x256xf32> to vector<2x256xf32>
    %add3A_57 = arith.addf %slice3A_55, %slice3A_56 : vector<2x256xf32>
    %slice3A_58 = vector.extract_strided_slice %add3A_57 {offsets = [0, 0], sizes = [1, 256], strides = [1, 1]} : vector<2x256xf32> to vector<1x256xf32>
    %slice3A_59 = vector.extract_strided_slice %add3A_57 {offsets = [1, 0], sizes = [1, 256], strides = [1, 1]} : vector<2x256xf32> to vector<1x256xf32>
    %add3A_60 = arith.addf %slice3A_58, %slice3A_59 : vector<1x256xf32>
    %add3A_61 = arith.addf %add3A_43, %add3A_60 : vector<1x256xf32>
    %mul3A = arith.constant 9.99999974E-5 : f32
    %mul3A_62 = vector.broadcast %mul3A : f32 to vector<1x256xf32>
    %mul3A_63 = arith.mulf %add3A_61, %mul3A_62 : vector<1x256xf32>
    %sub3A = vector.broadcast %mul3A_63 : vector<1x256xf32> to vector<10000x256xf32>
    %sub3A_64 = arith.subf %add3A_21, %sub3A : vector<10000x256xf32>
    %mul3A_65 = arith.mulf %sub3A_64, %sub3A_64 : vector<10000x256xf32>
    %swap3A_66 = arith.constant 0 : index
    %swap3A_67 = arith.constant 0 : index
    %swap3A_68 = vector.load %arg11[%swap3A_66, %swap3A_67] : memref<10000x256xf32, #tpu.memory_space<vmem>>, vector<10000x256xf32>
    tpu.vector_store %arg11[%swap3A_66, %swap3A_67], %mul3A_65 {strides = array<i32>} : memref<10000x256xf32, #tpu.memory_space<vmem>>, vector<10000x256xf32>,
    %broadcast_in_dim3A_69 = arith.constant 0.000000e+00 : f32
    %broadcast_in_dim3A_70 = vector.broadcast %broadcast_in_dim3A_69 : f32 to vector<8x256xf32>
    %scan3A_71 = arith.constant 0 : i32
    %scan3A_72 = arith.constant 625 : i32
    %scan3A_73 = arith.addi %scan3A_71, %scan3A_72 : i32
    %scan3A_74 = arith.constant 1 : i32
    %scan3A_75 = scf.for %scan3A_238 = %scan3A_71 to %scan3A_73 step %scan3A_74 iter_args(%scan3A_239 = %broadcast_in_dim3A_70) -> (vector<8x256xf32>)  : i32 {
      %mul3A_240 = arith.constant 8 : i32
      %mul3A_241 = arith.muli %scan3A_238, %mul3A_240 : i32
      %add3A_242 = arith.constant 0 : i32
      %add3A_243 = arith.addi %add3A_242, %mul3A_241 : i32
      %get3A_244 = arith.index_cast %add3A_243 : i32 to index
      %get3A_245 = arith.constant 0 : index
      %get3A_246 = vector.load %arg11[%get3A_244, %get3A_245] : memref<10000x256xf32, #tpu.memory_space<vmem>>, vector<8x256xf32>
      %add3A_247 = arith.addf %scan3A_239, %get3A_246 : vector<8x256xf32>
      scf.yield %add3A_247 : vector<8x256xf32>
    }
    %scan3A_76 = arith.constant 625 : i32
    %slice3A_77 = vector.extract_strided_slice %scan3A_75 {offsets = [0, 0], sizes = [4, 256], strides = [1, 1]} : vector<8x256xf32> to vector<4x256xf32>
    %slice3A_78 = vector.extract_strided_slice %scan3A_75 {offsets = [4, 0], sizes = [4, 256], strides = [1, 1]} : vector<8x256xf32> to vector<4x256xf32>
    %add3A_79 = arith.addf %slice3A_77, %slice3A_78 : vector<4x256xf32>
    %slice3A_80 = vector.extract_strided_slice %add3A_79 {offsets = [0, 0], sizes = [2, 256], strides = [1, 1]} : vector<4x256xf32> to vector<2x256xf32>
    %slice3A_81 = vector.extract_strided_slice %add3A_79 {offsets = [2, 0], sizes = [2, 256], strides = [1, 1]} : vector<4x256xf32> to vector<2x256xf32>
    %add3A_82 = arith.addf %slice3A_80, %slice3A_81 : vector<2x256xf32>
    %slice3A_83 = vector.extract_strided_slice %add3A_82 {offsets = [0, 0], sizes = [1, 256], strides = [1, 1]} : vector<2x256xf32> to vector<1x256xf32>
    %slice3A_84 = vector.extract_strided_slice %add3A_82 {offsets = [1, 0], sizes = [1, 256], strides = [1, 1]} : vector<2x256xf32> to vector<1x256xf32>
    %add3A_85 = arith.addf %slice3A_83, %slice3A_84 : vector<1x256xf32>
    %broadcast_in_dim3A_86 = arith.constant 0.000000e+00 : f32
    %broadcast_in_dim3A_87 = vector.broadcast %broadcast_in_dim3A_86 : f32 to vector<8x256xf32>
    %scan3A_88 = arith.constant 0 : i32
    %scan3A_89 = arith.constant 625 : i32
    %scan3A_90 = arith.addi %scan3A_88, %scan3A_89 : i32
    %scan3A_91 = arith.constant 1 : i32
    %scan3A_92 = scf.for %scan3A_238 = %scan3A_88 to %scan3A_90 step %scan3A_91 iter_args(%scan3A_239 = %broadcast_in_dim3A_87) -> (vector<8x256xf32>)  : i32 {
      %mul3A_240 = arith.constant 8 : i32
      %mul3A_241 = arith.muli %scan3A_238, %mul3A_240 : i32
      %add3A_242 = arith.constant 5000 : i32
      %add3A_243 = arith.addi %add3A_242, %mul3A_241 : i32
      %get3A_244 = arith.index_cast %add3A_243 : i32 to index
      %get3A_245 = arith.constant 0 : index
      %get3A_246 = vector.load %arg11[%get3A_244, %get3A_245] : memref<10000x256xf32, #tpu.memory_space<vmem>>, vector<8x256xf32>
      %add3A_247 = arith.addf %scan3A_239, %get3A_246 : vector<8x256xf32>
      scf.yield %add3A_247 : vector<8x256xf32>
    }
    %scan3A_93 = arith.constant 625 : i32
    %slice3A_94 = vector.extract_strided_slice %scan3A_92 {offsets = [0, 0], sizes = [4, 256], strides = [1, 1]} : vector<8x256xf32> to vector<4x256xf32>
    %slice3A_95 = vector.extract_strided_slice %scan3A_92 {offsets = [4, 0], sizes = [4, 256], strides = [1, 1]} : vector<8x256xf32> to vector<4x256xf32>
    %add3A_96 = arith.addf %slice3A_94, %slice3A_95 : vector<4x256xf32>
    %slice3A_97 = vector.extract_strided_slice %add3A_96 {offsets = [0, 0], sizes = [2, 256], strides = [1, 1]} : vector<4x256xf32> to vector<2x256xf32>
    %slice3A_98 = vector.extract_strided_slice %add3A_96 {offsets = [2, 0], sizes = [2, 256], strides = [1, 1]} : vector<4x256xf32> to vector<2x256xf32>
    %add3A_99 = arith.addf %slice3A_97, %slice3A_98 : vector<2x256xf32>
    %slice3A_100 = vector.extract_strided_slice %add3A_99 {offsets = [0, 0], sizes = [1, 256], strides = [1, 1]} : vector<2x256xf32> to vector<1x256xf32>
    %slice3A_101 = vector.extract_strided_slice %add3A_99 {offsets = [1, 0], sizes = [1, 256], strides = [1, 1]} : vector<2x256xf32> to vector<1x256xf32>
    %add3A_102 = arith.addf %slice3A_100, %slice3A_101 : vector<1x256xf32>
    %add3A_103 = arith.addf %add3A_85, %add3A_102 : vector<1x256xf32>
    %mul3A_104 = arith.constant 9.99999974E-5 : f32
    %mul3A_105 = vector.broadcast %mul3A_104 : f32 to vector<1x256xf32>
    %mul3A_106 = arith.mulf %add3A_103, %mul3A_105 : vector<1x256xf32>
    %sub3A_107 = vector.broadcast %mul3A_63 : vector<1x256xf32> to vector<10000x256xf32>
    %sub3A_108 = arith.subf %add3A_21, %sub3A_107 : vector<10000x256xf32>
    %add3A_109 = arith.constant 9.99999974E-6 : f32
    %add3A_110 = vector.broadcast %add3A_109 : f32 to vector<1x256xf32>
    %add3A_111 = arith.addf %mul3A_106, %add3A_110 : vector<1x256xf32>
    %sqrt3A = math.sqrt %add3A_111 : vector<1x256xf32>
    %div3A = vector.broadcast %sqrt3A : vector<1x256xf32> to vector<10000x256xf32>
    %div3A_112 = arith.divf %sub3A_108, %div3A : vector<10000x256xf32>
    %mul3A_113 = vector.broadcast %get3A_24 : vector<1x256xf32> to vector<10000x256xf32>
    %mul3A_114 = arith.mulf %div3A_112, %mul3A_113 : vector<10000x256xf32>
    %add3A_115 = vector.broadcast %get3A_27 : vector<1x256xf32> to vector<10000x256xf32>
    %add3A_116 = arith.addf %mul3A_114, %add3A_115 : vector<10000x256xf32>
    %max3A = arith.constant 0.000000e+00 : f32
    %max3A_117 = vector.broadcast %max3A : f32 to vector<10000x256xf32>
    %max3A_118 = arith.maximumf %add3A_116, %max3A_117 : vector<10000x256xf32>
    %get3A_119 = arith.constant 0 : index
    %get3A_120 = arith.constant 0 : index
    %get3A_121 = vector.load %arg6[%get3A_119, %get3A_120] : memref<256x128xf32, #tpu.memory_space<vmem>>, vector<256x128xf32>
    %dot_general3A_122 = arith.constant dense<0.000000e+00> : vector<10000x128xf32>
    %dot_general3A_123 = tpu.matmul %max3A_118, %get3A_121, %dot_general3A_122 {dimension_numbers = #tpu.dot_dimension_numbers<[1], [0], [0], [1], [0, 0, 1, 1], [], []>, transpose_lhs_hint = false} : vector<10000x256xf32>, vector<256x128xf32>, vector<10000x128xf32> -> vector<10000x128xf32>
    %get3A_124 = arith.constant 0 : index
    %get3A_125 = arith.constant 0 : index
    %get3A_126 = vector.load %arg7[%get3A_124, %get3A_125] : memref<1x128xf32, #tpu.memory_space<vmem>>, vector<1x128xf32>
    %add3A_127 = vector.broadcast %get3A_126 : vector<1x128xf32> to vector<10000x128xf32>
    %add3A_128 = arith.addf %dot_general3A_123, %add3A_127 : vector<10000x128xf32>
    %get3A_129 = arith.constant 0 : index
    %get3A_130 = arith.constant 0 : index
    %get3A_131 = vector.load %arg8[%get3A_129, %get3A_130] : memref<1x128xf32, #tpu.memory_space<vmem>>, vector<1x128xf32>
    %get3A_132 = arith.constant 0 : index
    %get3A_133 = arith.constant 0 : index
    %get3A_134 = vector.load %arg9[%get3A_132, %get3A_133] : memref<1x128xf32, #tpu.memory_space<vmem>>, vector<1x128xf32>
    %swap3A_135 = arith.constant 0 : index
    %swap3A_136 = arith.constant 0 : index
    %swap3A_137 = vector.load %arg12[%swap3A_135, %swap3A_136] : memref<10000x128xf32, #tpu.memory_space<vmem>>, vector<10000x128xf32>
    tpu.vector_store %arg12[%swap3A_135, %swap3A_136], %add3A_128 {strides = array<i32>} : memref<10000x128xf32, #tpu.memory_space<vmem>>, vector<10000x128xf32>,
    %broadcast_in_dim3A_138 = arith.constant 0.000000e+00 : f32
    %broadcast_in_dim3A_139 = vector.broadcast %broadcast_in_dim3A_138 : f32 to vector<8x128xf32>
    %scan3A_140 = arith.constant 0 : i32
    %scan3A_141 = arith.constant 625 : i32
    %scan3A_142 = arith.addi %scan3A_140, %scan3A_141 : i32
    %scan3A_143 = arith.constant 1 : i32
    %scan3A_144 = scf.for %scan3A_238 = %scan3A_140 to %scan3A_142 step %scan3A_143 iter_args(%scan3A_239 = %broadcast_in_dim3A_139) -> (vector<8x128xf32>)  : i32 {
      %mul3A_240 = arith.constant 8 : i32
      %mul3A_241 = arith.muli %scan3A_238, %mul3A_240 : i32
      %add3A_242 = arith.constant 0 : i32
      %add3A_243 = arith.addi %add3A_242, %mul3A_241 : i32
      %get3A_244 = arith.index_cast %add3A_243 : i32 to index
      %get3A_245 = arith.constant 0 : index
      %get3A_246 = vector.load %arg12[%get3A_244, %get3A_245] : memref<10000x128xf32, #tpu.memory_space<vmem>>, vector<8x128xf32>
      %add3A_247 = arith.addf %scan3A_239, %get3A_246 : vector<8x128xf32>
      scf.yield %add3A_247 : vector<8x128xf32>
    }
    %scan3A_145 = arith.constant 625 : i32
    %slice3A_146 = vector.extract_strided_slice %scan3A_144 {offsets = [0, 0], sizes = [4, 128], strides = [1, 1]} : vector<8x128xf32> to vector<4x128xf32>
    %slice3A_147 = vector.extract_strided_slice %scan3A_144 {offsets = [4, 0], sizes = [4, 128], strides = [1, 1]} : vector<8x128xf32> to vector<4x128xf32>
    %add3A_148 = arith.addf %slice3A_146, %slice3A_147 : vector<4x128xf32>
    %slice3A_149 = vector.extract_strided_slice %add3A_148 {offsets = [0, 0], sizes = [2, 128], strides = [1, 1]} : vector<4x128xf32> to vector<2x128xf32>
    %slice3A_150 = vector.extract_strided_slice %add3A_148 {offsets = [2, 0], sizes = [2, 128], strides = [1, 1]} : vector<4x128xf32> to vector<2x128xf32>
    %add3A_151 = arith.addf %slice3A_149, %slice3A_150 : vector<2x128xf32>
    %slice3A_152 = vector.extract_strided_slice %add3A_151 {offsets = [0, 0], sizes = [1, 128], strides = [1, 1]} : vector<2x128xf32> to vector<1x128xf32>
    %slice3A_153 = vector.extract_strided_slice %add3A_151 {offsets = [1, 0], sizes = [1, 128], strides = [1, 1]} : vector<2x128xf32> to vector<1x128xf32>
    %add3A_154 = arith.addf %slice3A_152, %slice3A_153 : vector<1x128xf32>
    %broadcast_in_dim3A_155 = arith.constant 0.000000e+00 : f32
    %broadcast_in_dim3A_156 = vector.broadcast %broadcast_in_dim3A_155 : f32 to vector<8x128xf32>
    %scan3A_157 = arith.constant 0 : i32
    %scan3A_158 = arith.constant 625 : i32
    %scan3A_159 = arith.addi %scan3A_157, %scan3A_158 : i32
    %scan3A_160 = arith.constant 1 : i32
    %scan3A_161 = scf.for %scan3A_238 = %scan3A_157 to %scan3A_159 step %scan3A_160 iter_args(%scan3A_239 = %broadcast_in_dim3A_156) -> (vector<8x128xf32>)  : i32 {
      %mul3A_240 = arith.constant 8 : i32
      %mul3A_241 = arith.muli %scan3A_238, %mul3A_240 : i32
      %add3A_242 = arith.constant 5000 : i32
      %add3A_243 = arith.addi %add3A_242, %mul3A_241 : i32
      %get3A_244 = arith.index_cast %add3A_243 : i32 to index
      %get3A_245 = arith.constant 0 : index
      %get3A_246 = vector.load %arg12[%get3A_244, %get3A_245] : memref<10000x128xf32, #tpu.memory_space<vmem>>, vector<8x128xf32>
      %add3A_247 = arith.addf %scan3A_239, %get3A_246 : vector<8x128xf32>
      scf.yield %add3A_247 : vector<8x128xf32>
    }
    %scan3A_162 = arith.constant 625 : i32
    %slice3A_163 = vector.extract_strided_slice %scan3A_161 {offsets = [0, 0], sizes = [4, 128], strides = [1, 1]} : vector<8x128xf32> to vector<4x128xf32>
    %slice3A_164 = vector.extract_strided_slice %scan3A_161 {offsets = [4, 0], sizes = [4, 128], strides = [1, 1]} : vector<8x128xf32> to vector<4x128xf32>
    %add3A_165 = arith.addf %slice3A_163, %slice3A_164 : vector<4x128xf32>
    %slice3A_166 = vector.extract_strided_slice %add3A_165 {offsets = [0, 0], sizes = [2, 128], strides = [1, 1]} : vector<4x128xf32> to vector<2x128xf32>
    %slice3A_167 = vector.extract_strided_slice %add3A_165 {offsets = [2, 0], sizes = [2, 128], strides = [1, 1]} : vector<4x128xf32> to vector<2x128xf32>
    %add3A_168 = arith.addf %slice3A_166, %slice3A_167 : vector<2x128xf32>
    %slice3A_169 = vector.extract_strided_slice %add3A_168 {offsets = [0, 0], sizes = [1, 128], strides = [1, 1]} : vector<2x128xf32> to vector<1x128xf32>
    %slice3A_170 = vector.extract_strided_slice %add3A_168 {offsets = [1, 0], sizes = [1, 128], strides = [1, 1]} : vector<2x128xf32> to vector<1x128xf32>
    %add3A_171 = arith.addf %slice3A_169, %slice3A_170 : vector<1x128xf32>
    %add3A_172 = arith.addf %add3A_154, %add3A_171 : vector<1x128xf32>
    %mul3A_173 = arith.constant 9.99999974E-5 : f32
    %mul3A_174 = vector.broadcast %mul3A_173 : f32 to vector<1x128xf32>
    %mul3A_175 = arith.mulf %add3A_172, %mul3A_174 : vector<1x128xf32>
    %sub3A_176 = vector.broadcast %mul3A_175 : vector<1x128xf32> to vector<10000x128xf32>
    %sub3A_177 = arith.subf %add3A_128, %sub3A_176 : vector<10000x128xf32>
    %mul3A_178 = arith.mulf %sub3A_177, %sub3A_177 : vector<10000x128xf32>
    %swap3A_179 = arith.constant 0 : index
    %swap3A_180 = arith.constant 0 : index
    %swap3A_181 = vector.load %arg12[%swap3A_179, %swap3A_180] : memref<10000x128xf32, #tpu.memory_space<vmem>>, vector<10000x128xf32>
    tpu.vector_store %arg12[%swap3A_179, %swap3A_180], %mul3A_178 {strides = array<i32>} : memref<10000x128xf32, #tpu.memory_space<vmem>>, vector<10000x128xf32>,
    %broadcast_in_dim3A_182 = arith.constant 0.000000e+00 : f32
    %broadcast_in_dim3A_183 = vector.broadcast %broadcast_in_dim3A_182 : f32 to vector<8x128xf32>
    %scan3A_184 = arith.constant 0 : i32
    %scan3A_185 = arith.constant 625 : i32
    %scan3A_186 = arith.addi %scan3A_184, %scan3A_185 : i32
    %scan3A_187 = arith.constant 1 : i32
    %scan3A_188 = scf.for %scan3A_238 = %scan3A_184 to %scan3A_186 step %scan3A_187 iter_args(%scan3A_239 = %broadcast_in_dim3A_183) -> (vector<8x128xf32>)  : i32 {
      %mul3A_240 = arith.constant 8 : i32
      %mul3A_241 = arith.muli %scan3A_238, %mul3A_240 : i32
      %add3A_242 = arith.constant 0 : i32
      %add3A_243 = arith.addi %add3A_242, %mul3A_241 : i32
      %get3A_244 = arith.index_cast %add3A_243 : i32 to index
      %get3A_245 = arith.constant 0 : index
      %get3A_246 = vector.load %arg12[%get3A_244, %get3A_245] : memref<10000x128xf32, #tpu.memory_space<vmem>>, vector<8x128xf32>
      %add3A_247 = arith.addf %scan3A_239, %get3A_246 : vector<8x128xf32>
      scf.yield %add3A_247 : vector<8x128xf32>
    }
    %scan3A_189 = arith.constant 625 : i32
    %slice3A_190 = vector.extract_strided_slice %scan3A_188 {offsets = [0, 0], sizes = [4, 128], strides = [1, 1]} : vector<8x128xf32> to vector<4x128xf32>
    %slice3A_191 = vector.extract_strided_slice %scan3A_188 {offsets = [4, 0], sizes = [4, 128], strides = [1, 1]} : vector<8x128xf32> to vector<4x128xf32>
    %add3A_192 = arith.addf %slice3A_190, %slice3A_191 : vector<4x128xf32>
    %slice3A_193 = vector.extract_strided_slice %add3A_192 {offsets = [0, 0], sizes = [2, 128], strides = [1, 1]} : vector<4x128xf32> to vector<2x128xf32>
    %slice3A_194 = vector.extract_strided_slice %add3A_192 {offsets = [2, 0], sizes = [2, 128], strides = [1, 1]} : vector<4x128xf32> to vector<2x128xf32>
    %add3A_195 = arith.addf %slice3A_193, %slice3A_194 : vector<2x128xf32>
    %slice3A_196 = vector.extract_strided_slice %add3A_195 {offsets = [0, 0], sizes = [1, 128], strides = [1, 1]} : vector<2x128xf32> to vector<1x128xf32>
    %slice3A_197 = vector.extract_strided_slice %add3A_195 {offsets = [1, 0], sizes = [1, 128], strides = [1, 1]} : vector<2x128xf32> to vector<1x128xf32>
    %add3A_198 = arith.addf %slice3A_196, %slice3A_197 : vector<1x128xf32>
    %broadcast_in_dim3A_199 = arith.constant 0.000000e+00 : f32
    %broadcast_in_dim3A_200 = vector.broadcast %broadcast_in_dim3A_199 : f32 to vector<8x128xf32>
    %scan3A_201 = arith.constant 0 : i32
    %scan3A_202 = arith.constant 625 : i32
    %scan3A_203 = arith.addi %scan3A_201, %scan3A_202 : i32
    %scan3A_204 = arith.constant 1 : i32
    %scan3A_205 = scf.for %scan3A_238 = %scan3A_201 to %scan3A_203 step %scan3A_204 iter_args(%scan3A_239 = %broadcast_in_dim3A_200) -> (vector<8x128xf32>)  : i32 {
      %mul3A_240 = arith.constant 8 : i32
      %mul3A_241 = arith.muli %scan3A_238, %mul3A_240 : i32
      %add3A_242 = arith.constant 5000 : i32
      %add3A_243 = arith.addi %add3A_242, %mul3A_241 : i32
      %get3A_244 = arith.index_cast %add3A_243 : i32 to index
      %get3A_245 = arith.constant 0 : index
      %get3A_246 = vector.load %arg12[%get3A_244, %get3A_245] : memref<10000x128xf32, #tpu.memory_space<vmem>>, vector<8x128xf32>
      %add3A_247 = arith.addf %scan3A_239, %get3A_246 : vector<8x128xf32>
      scf.yield %add3A_247 : vector<8x128xf32>
    }
    %scan3A_206 = arith.constant 625 : i32
    %slice3A_207 = vector.extract_strided_slice %scan3A_205 {offsets = [0, 0], sizes = [4, 128], strides = [1, 1]} : vector<8x128xf32> to vector<4x128xf32>
    %slice3A_208 = vector.extract_strided_slice %scan3A_205 {offsets = [4, 0], sizes = [4, 128], strides = [1, 1]} : vector<8x128xf32> to vector<4x128xf32>
    %add3A_209 = arith.addf %slice3A_207, %slice3A_208 : vector<4x128xf32>
    %slice3A_210 = vector.extract_strided_slice %add3A_209 {offsets = [0, 0], sizes = [2, 128], strides = [1, 1]} : vector<4x128xf32> to vector<2x128xf32>
    %slice3A_211 = vector.extract_strided_slice %add3A_209 {offsets = [2, 0], sizes = [2, 128], strides = [1, 1]} : vector<4x128xf32> to vector<2x128xf32>
    %add3A_212 = arith.addf %slice3A_210, %slice3A_211 : vector<2x128xf32>
    %slice3A_213 = vector.extract_strided_slice %add3A_212 {offsets = [0, 0], sizes = [1, 128], strides = [1, 1]} : vector<2x128xf32> to vector<1x128xf32>
    %slice3A_214 = vector.extract_strided_slice %add3A_212 {offsets = [1, 0], sizes = [1, 128], strides = [1, 1]} : vector<2x128xf32> to vector<1x128xf32>
    %add3A_215 = arith.addf %slice3A_213, %slice3A_214 : vector<1x128xf32>
    %add3A_216 = arith.addf %add3A_198, %add3A_215 : vector<1x128xf32>
    %mul3A_217 = arith.constant 9.99999974E-5 : f32
    %mul3A_218 = vector.broadcast %mul3A_217 : f32 to vector<1x128xf32>
    %mul3A_219 = arith.mulf %add3A_216, %mul3A_218 : vector<1x128xf32>
    %sub3A_220 = vector.broadcast %mul3A_175 : vector<1x128xf32> to vector<10000x128xf32>
    %sub3A_221 = arith.subf %add3A_128, %sub3A_220 : vector<10000x128xf32>
    %add3A_222 = arith.constant 9.99999974E-6 : f32
    %add3A_223 = vector.broadcast %add3A_222 : f32 to vector<1x128xf32>
    %add3A_224 = arith.addf %mul3A_219, %add3A_223 : vector<1x128xf32>
    %sqrt3A_225 = math.sqrt %add3A_224 : vector<1x128xf32>
    %div3A_226 = vector.broadcast %sqrt3A_225 : vector<1x128xf32> to vector<10000x128xf32>
    %div3A_227 = arith.divf %sub3A_221, %div3A_226 : vector<10000x128xf32>
    %mul3A_228 = vector.broadcast %get3A_131 : vector<1x128xf32> to vector<10000x128xf32>
    %mul3A_229 = arith.mulf %div3A_227, %mul3A_228 : vector<10000x128xf32>
    %add3A_230 = vector.broadcast %get3A_134 : vector<1x128xf32> to vector<10000x128xf32>
    %add3A_231 = arith.addf %mul3A_229, %add3A_230 : vector<10000x128xf32>
    %max3A_232 = arith.constant 0.000000e+00 : f32
    %max3A_233 = vector.broadcast %max3A_232 : f32 to vector<10000x128xf32>
    %max3A_234 = arith.maximumf %add3A_231, %max3A_233 : vector<10000x128xf32>
    %swap3A_235 = arith.constant 0 : index
    %swap3A_236 = arith.constant 0 : index
    %swap3A_237 = vector.load %arg10[%swap3A_235, %swap3A_236] : memref<10000x128xf32, #tpu.memory_space<vmem>>, vector<10000x128xf32>
    tpu.vector_store %arg10[%swap3A_235, %swap3A_236], %max3A_234 {strides = array<i32>} : memref<10000x128xf32, #tpu.memory_space<vmem>>, vector<10000x128xf32>,
    return
  }
}

module attributes {stable_mosaic.version = 14 : i64} {
  func.func @body(%arg0: memref<10000x128xf32, #tpu.memory_space<vmem>>, %arg1: memref<10000xi32, #tpu.memory_space<smem>>, %arg2: memref<128x128xf32, #tpu.memory_space<vmem>>, %arg3: memref<1x128xf32, #tpu.memory_space<vmem>>, %arg4: memref<1x128xf32, #tpu.memory_space<vmem>>, %arg5: memref<1x128xf32, #tpu.memory_space<vmem>>, %arg6: memref<128x1xf32, #tpu.memory_space<vmem>>, %arg7: memref<1x1xf32, #tpu.memory_space<vmem>>, %arg8: memref<64x1xf32, #tpu.memory_space<vmem>>, %arg9: memref<64x128xf32, #tpu.memory_space<vmem>>, %arg10: memref<64x128xf32, #tpu.memory_space<vmem>>, %arg11: memref<64x128xf32, #tpu.memory_space<vmem>>) attributes {dimension_semantics = [], scalar_prefetch = 0 : i64, scratch_operands = 3 : i64, tpu.core_type = #tpu.core_type<tc>} {
    %broadcast_in_dim3A = arith.constant 0.000000e+00 : f32
    %broadcast_in_dim3A_0 = vector.broadcast %broadcast_in_dim3A : f32 to vector<64x128xf32>
    %swap3A = arith.constant 0 : index
    %swap3A_1 = arith.constant 0 : index
    %swap3A_2 = vector.load %arg11[%swap3A, %swap3A_1] : memref<64x128xf32, #tpu.memory_space<vmem>>, vector<64x128xf32>
    tpu.vector_store %arg11[%swap3A, %swap3A_1], %broadcast_in_dim3A_0 {strides = array<i32>} : memref<64x128xf32, #tpu.memory_space<vmem>>, vector<64x128xf32>,
    %broadcast_in_dim3A_3 = arith.constant 0.000000e+00 : f32
    %broadcast_in_dim3A_4 = vector.broadcast %broadcast_in_dim3A_3 : f32 to vector<64x128xf32>
    %swap3A_5 = arith.constant 0 : index
    %swap3A_6 = arith.constant 0 : index
    %swap3A_7 = vector.load %arg10[%swap3A_5, %swap3A_6] : memref<64x128xf32, #tpu.memory_space<vmem>>, vector<64x128xf32>
    tpu.vector_store %arg10[%swap3A_5, %swap3A_6], %broadcast_in_dim3A_4 {strides = array<i32>} : memref<64x128xf32, #tpu.memory_space<vmem>>, vector<64x128xf32>,
    %scan3A = arith.constant 0 : i32
    %scan3A_8 = arith.constant 720 : i32
    %scan3A_9 = arith.addi %scan3A, %scan3A_8 : i32
    %scan3A_10 = arith.constant 1 : i32
    scf.for %scan3A_409 = %scan3A to %scan3A_9 step %scan3A_10  : i32 {
      %get3A_410 = arith.index_cast %scan3A_409 : i32 to index
      %get3A_411 = memref.load %arg1[%get3A_410] : memref<10000xi32, #tpu.memory_space<smem>>
      %get3A_412 = arith.index_cast %get3A_411 : i32 to index
      %get3A_413 = arith.constant 0 : index
      %get3A_414 = vector.load %arg10[%get3A_412, %get3A_413] : memref<64x128xf32, #tpu.memory_space<vmem>>, vector<1x128xf32>
      %get3A_415 = arith.index_cast %scan3A_409 : i32 to index
      %get3A_416 = arith.constant 0 : index
      %get3A_417 = vector.load %arg0[%get3A_415, %get3A_416] : memref<10000x128xf32, #tpu.memory_space<vmem>>, vector<1x128xf32>
      %add3A_418 = arith.addf %get3A_414, %get3A_417 : vector<1x128xf32>
      %swap3A_419 = arith.index_cast %get3A_411 : i32 to index
      %swap3A_420 = arith.constant 0 : index
      %swap3A_421 = vector.load %arg10[%swap3A_419, %swap3A_420] : memref<64x128xf32, #tpu.memory_space<vmem>>, vector<1x128xf32>
      tpu.vector_store %arg10[%swap3A_419, %swap3A_420], %add3A_418 {strides = array<i32>} : memref<64x128xf32, #tpu.memory_space<vmem>>, vector<1x128xf32>,
    }
    %scan3A_11 = arith.constant 720 : i32
    %get3A = arith.constant 0 : index
    %get3A_12 = arith.constant 0 : index
    %get3A_13 = vector.load %arg11[%get3A, %get3A_12] : memref<64x128xf32, #tpu.memory_space<vmem>>, vector<64x128xf32>
    %get3A_14 = arith.constant 0 : index
    %get3A_15 = arith.constant 0 : index
    %get3A_16 = vector.load %arg10[%get3A_14, %get3A_15] : memref<64x128xf32, #tpu.memory_space<vmem>>, vector<64x128xf32>
    %add3A = arith.addf %get3A_13, %get3A_16 : vector<64x128xf32>
    %swap3A_17 = arith.constant 0 : index
    %swap3A_18 = arith.constant 0 : index
    %swap3A_19 = vector.load %arg11[%swap3A_17, %swap3A_18] : memref<64x128xf32, #tpu.memory_space<vmem>>, vector<64x128xf32>
    tpu.vector_store %arg11[%swap3A_17, %swap3A_18], %add3A {strides = array<i32>} : memref<64x128xf32, #tpu.memory_space<vmem>>, vector<64x128xf32>,
    %broadcast_in_dim3A_20 = arith.constant 0.000000e+00 : f32
    %broadcast_in_dim3A_21 = vector.broadcast %broadcast_in_dim3A_20 : f32 to vector<64x128xf32>
    %swap3A_22 = arith.constant 0 : index
    %swap3A_23 = arith.constant 0 : index
    %swap3A_24 = vector.load %arg10[%swap3A_22, %swap3A_23] : memref<64x128xf32, #tpu.memory_space<vmem>>, vector<64x128xf32>
    tpu.vector_store %arg10[%swap3A_22, %swap3A_23], %broadcast_in_dim3A_21 {strides = array<i32>} : memref<64x128xf32, #tpu.memory_space<vmem>>, vector<64x128xf32>,
    %scan3A_25 = arith.constant 720 : i32
    %scan3A_26 = arith.constant 720 : i32
    %scan3A_27 = arith.addi %scan3A_25, %scan3A_26 : i32
    %scan3A_28 = arith.constant 1 : i32
    scf.for %scan3A_409 = %scan3A_25 to %scan3A_27 step %scan3A_28  : i32 {
      %get3A_410 = arith.index_cast %scan3A_409 : i32 to index
      %get3A_411 = memref.load %arg1[%get3A_410] : memref<10000xi32, #tpu.memory_space<smem>>
      %get3A_412 = arith.index_cast %get3A_411 : i32 to index
      %get3A_413 = arith.constant 0 : index
      %get3A_414 = vector.load %arg10[%get3A_412, %get3A_413] : memref<64x128xf32, #tpu.memory_space<vmem>>, vector<1x128xf32>
      %get3A_415 = arith.index_cast %scan3A_409 : i32 to index
      %get3A_416 = arith.constant 0 : index
      %get3A_417 = vector.load %arg0[%get3A_415, %get3A_416] : memref<10000x128xf32, #tpu.memory_space<vmem>>, vector<1x128xf32>
      %add3A_418 = arith.addf %get3A_414, %get3A_417 : vector<1x128xf32>
      %swap3A_419 = arith.index_cast %get3A_411 : i32 to index
      %swap3A_420 = arith.constant 0 : index
      %swap3A_421 = vector.load %arg10[%swap3A_419, %swap3A_420] : memref<64x128xf32, #tpu.memory_space<vmem>>, vector<1x128xf32>
      tpu.vector_store %arg10[%swap3A_419, %swap3A_420], %add3A_418 {strides = array<i32>} : memref<64x128xf32, #tpu.memory_space<vmem>>, vector<1x128xf32>,
    }
    %scan3A_29 = arith.constant 720 : i32
    %get3A_30 = arith.constant 0 : index
    %get3A_31 = arith.constant 0 : index
    %get3A_32 = vector.load %arg11[%get3A_30, %get3A_31] : memref<64x128xf32, #tpu.memory_space<vmem>>, vector<64x128xf32>
    %get3A_33 = arith.constant 0 : index
    %get3A_34 = arith.constant 0 : index
    %get3A_35 = vector.load %arg10[%get3A_33, %get3A_34] : memref<64x128xf32, #tpu.memory_space<vmem>>, vector<64x128xf32>
    %add3A_36 = arith.addf %get3A_32, %get3A_35 : vector<64x128xf32>
    %swap3A_37 = arith.constant 0 : index
    %swap3A_38 = arith.constant 0 : index
    %swap3A_39 = vector.load %arg11[%swap3A_37, %swap3A_38] : memref<64x128xf32, #tpu.memory_space<vmem>>, vector<64x128xf32>
    tpu.vector_store %arg11[%swap3A_37, %swap3A_38], %add3A_36 {strides = array<i32>} : memref<64x128xf32, #tpu.memory_space<vmem>>, vector<64x128xf32>,
    %broadcast_in_dim3A_40 = arith.constant 0.000000e+00 : f32
    %broadcast_in_dim3A_41 = vector.broadcast %broadcast_in_dim3A_40 : f32 to vector<64x128xf32>
    %swap3A_42 = arith.constant 0 : index
    %swap3A_43 = arith.constant 0 : index
    %swap3A_44 = vector.load %arg10[%swap3A_42, %swap3A_43] : memref<64x128xf32, #tpu.memory_space<vmem>>, vector<64x128xf32>
    tpu.vector_store %arg10[%swap3A_42, %swap3A_43], %broadcast_in_dim3A_41 {strides = array<i32>} : memref<64x128xf32, #tpu.memory_space<vmem>>, vector<64x128xf32>,
    %scan3A_45 = arith.constant 1440 : i32
    %scan3A_46 = arith.constant 720 : i32
    %scan3A_47 = arith.addi %scan3A_45, %scan3A_46 : i32
    %scan3A_48 = arith.constant 1 : i32
    scf.for %scan3A_409 = %scan3A_45 to %scan3A_47 step %scan3A_48  : i32 {
      %get3A_410 = arith.index_cast %scan3A_409 : i32 to index
      %get3A_411 = memref.load %arg1[%get3A_410] : memref<10000xi32, #tpu.memory_space<smem>>
      %get3A_412 = arith.index_cast %get3A_411 : i32 to index
      %get3A_413 = arith.constant 0 : index
      %get3A_414 = vector.load %arg10[%get3A_412, %get3A_413] : memref<64x128xf32, #tpu.memory_space<vmem>>, vector<1x128xf32>
      %get3A_415 = arith.index_cast %scan3A_409 : i32 to index
      %get3A_416 = arith.constant 0 : index
      %get3A_417 = vector.load %arg0[%get3A_415, %get3A_416] : memref<10000x128xf32, #tpu.memory_space<vmem>>, vector<1x128xf32>
      %add3A_418 = arith.addf %get3A_414, %get3A_417 : vector<1x128xf32>
      %swap3A_419 = arith.index_cast %get3A_411 : i32 to index
      %swap3A_420 = arith.constant 0 : index
      %swap3A_421 = vector.load %arg10[%swap3A_419, %swap3A_420] : memref<64x128xf32, #tpu.memory_space<vmem>>, vector<1x128xf32>
      tpu.vector_store %arg10[%swap3A_419, %swap3A_420], %add3A_418 {strides = array<i32>} : memref<64x128xf32, #tpu.memory_space<vmem>>, vector<1x128xf32>,
    }
    %scan3A_49 = arith.constant 720 : i32
    %get3A_50 = arith.constant 0 : index
    %get3A_51 = arith.constant 0 : index
    %get3A_52 = vector.load %arg11[%get3A_50, %get3A_51] : memref<64x128xf32, #tpu.memory_space<vmem>>, vector<64x128xf32>
    %get3A_53 = arith.constant 0 : index
    %get3A_54 = arith.constant 0 : index
    %get3A_55 = vector.load %arg10[%get3A_53, %get3A_54] : memref<64x128xf32, #tpu.memory_space<vmem>>, vector<64x128xf32>
    %add3A_56 = arith.addf %get3A_52, %get3A_55 : vector<64x128xf32>
    %swap3A_57 = arith.constant 0 : index
    %swap3A_58 = arith.constant 0 : index
    %swap3A_59 = vector.load %arg11[%swap3A_57, %swap3A_58] : memref<64x128xf32, #tpu.memory_space<vmem>>, vector<64x128xf32>
    tpu.vector_store %arg11[%swap3A_57, %swap3A_58], %add3A_56 {strides = array<i32>} : memref<64x128xf32, #tpu.memory_space<vmem>>, vector<64x128xf32>,
    %broadcast_in_dim3A_60 = arith.constant 0.000000e+00 : f32
    %broadcast_in_dim3A_61 = vector.broadcast %broadcast_in_dim3A_60 : f32 to vector<64x128xf32>
    %swap3A_62 = arith.constant 0 : index
    %swap3A_63 = arith.constant 0 : index
    %swap3A_64 = vector.load %arg10[%swap3A_62, %swap3A_63] : memref<64x128xf32, #tpu.memory_space<vmem>>, vector<64x128xf32>
    tpu.vector_store %arg10[%swap3A_62, %swap3A_63], %broadcast_in_dim3A_61 {strides = array<i32>} : memref<64x128xf32, #tpu.memory_space<vmem>>, vector<64x128xf32>,
    %scan3A_65 = arith.constant 2160 : i32
    %scan3A_66 = arith.constant 720 : i32
    %scan3A_67 = arith.addi %scan3A_65, %scan3A_66 : i32
    %scan3A_68 = arith.constant 1 : i32
    scf.for %scan3A_409 = %scan3A_65 to %scan3A_67 step %scan3A_68  : i32 {
      %get3A_410 = arith.index_cast %scan3A_409 : i32 to index
      %get3A_411 = memref.load %arg1[%get3A_410] : memref<10000xi32, #tpu.memory_space<smem>>
      %get3A_412 = arith.index_cast %get3A_411 : i32 to index
      %get3A_413 = arith.constant 0 : index
      %get3A_414 = vector.load %arg10[%get3A_412, %get3A_413] : memref<64x128xf32, #tpu.memory_space<vmem>>, vector<1x128xf32>
      %get3A_415 = arith.index_cast %scan3A_409 : i32 to index
      %get3A_416 = arith.constant 0 : index
      %get3A_417 = vector.load %arg0[%get3A_415, %get3A_416] : memref<10000x128xf32, #tpu.memory_space<vmem>>, vector<1x128xf32>
      %add3A_418 = arith.addf %get3A_414, %get3A_417 : vector<1x128xf32>
      %swap3A_419 = arith.index_cast %get3A_411 : i32 to index
      %swap3A_420 = arith.constant 0 : index
      %swap3A_421 = vector.load %arg10[%swap3A_419, %swap3A_420] : memref<64x128xf32, #tpu.memory_space<vmem>>, vector<1x128xf32>
      tpu.vector_store %arg10[%swap3A_419, %swap3A_420], %add3A_418 {strides = array<i32>} : memref<64x128xf32, #tpu.memory_space<vmem>>, vector<1x128xf32>,
    }
    %scan3A_69 = arith.constant 720 : i32
    %get3A_70 = arith.constant 0 : index
    %get3A_71 = arith.constant 0 : index
    %get3A_72 = vector.load %arg11[%get3A_70, %get3A_71] : memref<64x128xf32, #tpu.memory_space<vmem>>, vector<64x128xf32>
    %get3A_73 = arith.constant 0 : index
    %get3A_74 = arith.constant 0 : index
    %get3A_75 = vector.load %arg10[%get3A_73, %get3A_74] : memref<64x128xf32, #tpu.memory_space<vmem>>, vector<64x128xf32>
    %add3A_76 = arith.addf %get3A_72, %get3A_75 : vector<64x128xf32>
    %swap3A_77 = arith.constant 0 : index
    %swap3A_78 = arith.constant 0 : index
    %swap3A_79 = vector.load %arg11[%swap3A_77, %swap3A_78] : memref<64x128xf32, #tpu.memory_space<vmem>>, vector<64x128xf32>
    tpu.vector_store %arg11[%swap3A_77, %swap3A_78], %add3A_76 {strides = array<i32>} : memref<64x128xf32, #tpu.memory_space<vmem>>, vector<64x128xf32>,
    %broadcast_in_dim3A_80 = arith.constant 0.000000e+00 : f32
    %broadcast_in_dim3A_81 = vector.broadcast %broadcast_in_dim3A_80 : f32 to vector<64x128xf32>
    %swap3A_82 = arith.constant 0 : index
    %swap3A_83 = arith.constant 0 : index
    %swap3A_84 = vector.load %arg10[%swap3A_82, %swap3A_83] : memref<64x128xf32, #tpu.memory_space<vmem>>, vector<64x128xf32>
    tpu.vector_store %arg10[%swap3A_82, %swap3A_83], %broadcast_in_dim3A_81 {strides = array<i32>} : memref<64x128xf32, #tpu.memory_space<vmem>>, vector<64x128xf32>,
    %scan3A_85 = arith.constant 2880 : i32
    %scan3A_86 = arith.constant 720 : i32
    %scan3A_87 = arith.addi %scan3A_85, %scan3A_86 : i32
    %scan3A_88 = arith.constant 1 : i32
    scf.for %scan3A_409 = %scan3A_85 to %scan3A_87 step %scan3A_88  : i32 {
      %get3A_410 = arith.index_cast %scan3A_409 : i32 to index
      %get3A_411 = memref.load %arg1[%get3A_410] : memref<10000xi32, #tpu.memory_space<smem>>
      %get3A_412 = arith.index_cast %get3A_411 : i32 to index
      %get3A_413 = arith.constant 0 : index
      %get3A_414 = vector.load %arg10[%get3A_412, %get3A_413] : memref<64x128xf32, #tpu.memory_space<vmem>>, vector<1x128xf32>
      %get3A_415 = arith.index_cast %scan3A_409 : i32 to index
      %get3A_416 = arith.constant 0 : index
      %get3A_417 = vector.load %arg0[%get3A_415, %get3A_416] : memref<10000x128xf32, #tpu.memory_space<vmem>>, vector<1x128xf32>
      %add3A_418 = arith.addf %get3A_414, %get3A_417 : vector<1x128xf32>
      %swap3A_419 = arith.index_cast %get3A_411 : i32 to index
      %swap3A_420 = arith.constant 0 : index
      %swap3A_421 = vector.load %arg10[%swap3A_419, %swap3A_420] : memref<64x128xf32, #tpu.memory_space<vmem>>, vector<1x128xf32>
      tpu.vector_store %arg10[%swap3A_419, %swap3A_420], %add3A_418 {strides = array<i32>} : memref<64x128xf32, #tpu.memory_space<vmem>>, vector<1x128xf32>,
    }
    %scan3A_89 = arith.constant 720 : i32
    %get3A_90 = arith.constant 0 : index
    %get3A_91 = arith.constant 0 : index
    %get3A_92 = vector.load %arg11[%get3A_90, %get3A_91] : memref<64x128xf32, #tpu.memory_space<vmem>>, vector<64x128xf32>
    %get3A_93 = arith.constant 0 : index
    %get3A_94 = arith.constant 0 : index
    %get3A_95 = vector.load %arg10[%get3A_93, %get3A_94] : memref<64x128xf32, #tpu.memory_space<vmem>>, vector<64x128xf32>
    %add3A_96 = arith.addf %get3A_92, %get3A_95 : vector<64x128xf32>
    %swap3A_97 = arith.constant 0 : index
    %swap3A_98 = arith.constant 0 : index
    %swap3A_99 = vector.load %arg11[%swap3A_97, %swap3A_98] : memref<64x128xf32, #tpu.memory_space<vmem>>, vector<64x128xf32>
    tpu.vector_store %arg11[%swap3A_97, %swap3A_98], %add3A_96 {strides = array<i32>} : memref<64x128xf32, #tpu.memory_space<vmem>>, vector<64x128xf32>,
    %broadcast_in_dim3A_100 = arith.constant 0.000000e+00 : f32
    %broadcast_in_dim3A_101 = vector.broadcast %broadcast_in_dim3A_100 : f32 to vector<64x128xf32>
    %swap3A_102 = arith.constant 0 : index
    %swap3A_103 = arith.constant 0 : index
    %swap3A_104 = vector.load %arg10[%swap3A_102, %swap3A_103] : memref<64x128xf32, #tpu.memory_space<vmem>>, vector<64x128xf32>
    tpu.vector_store %arg10[%swap3A_102, %swap3A_103], %broadcast_in_dim3A_101 {strides = array<i32>} : memref<64x128xf32, #tpu.memory_space<vmem>>, vector<64x128xf32>,
    %scan3A_105 = arith.constant 3600 : i32
    %scan3A_106 = arith.constant 720 : i32
    %scan3A_107 = arith.addi %scan3A_105, %scan3A_106 : i32
    %scan3A_108 = arith.constant 1 : i32
    scf.for %scan3A_409 = %scan3A_105 to %scan3A_107 step %scan3A_108  : i32 {
      %get3A_410 = arith.index_cast %scan3A_409 : i32 to index
      %get3A_411 = memref.load %arg1[%get3A_410] : memref<10000xi32, #tpu.memory_space<smem>>
      %get3A_412 = arith.index_cast %get3A_411 : i32 to index
      %get3A_413 = arith.constant 0 : index
      %get3A_414 = vector.load %arg10[%get3A_412, %get3A_413] : memref<64x128xf32, #tpu.memory_space<vmem>>, vector<1x128xf32>
      %get3A_415 = arith.index_cast %scan3A_409 : i32 to index
      %get3A_416 = arith.constant 0 : index
      %get3A_417 = vector.load %arg0[%get3A_415, %get3A_416] : memref<10000x128xf32, #tpu.memory_space<vmem>>, vector<1x128xf32>
      %add3A_418 = arith.addf %get3A_414, %get3A_417 : vector<1x128xf32>
      %swap3A_419 = arith.index_cast %get3A_411 : i32 to index
      %swap3A_420 = arith.constant 0 : index
      %swap3A_421 = vector.load %arg10[%swap3A_419, %swap3A_420] : memref<64x128xf32, #tpu.memory_space<vmem>>, vector<1x128xf32>
      tpu.vector_store %arg10[%swap3A_419, %swap3A_420], %add3A_418 {strides = array<i32>} : memref<64x128xf32, #tpu.memory_space<vmem>>, vector<1x128xf32>,
    }
    %scan3A_109 = arith.constant 720 : i32
    %get3A_110 = arith.constant 0 : index
    %get3A_111 = arith.constant 0 : index
    %get3A_112 = vector.load %arg11[%get3A_110, %get3A_111] : memref<64x128xf32, #tpu.memory_space<vmem>>, vector<64x128xf32>
    %get3A_113 = arith.constant 0 : index
    %get3A_114 = arith.constant 0 : index
    %get3A_115 = vector.load %arg10[%get3A_113, %get3A_114] : memref<64x128xf32, #tpu.memory_space<vmem>>, vector<64x128xf32>
    %add3A_116 = arith.addf %get3A_112, %get3A_115 : vector<64x128xf32>
    %swap3A_117 = arith.constant 0 : index
    %swap3A_118 = arith.constant 0 : index
    %swap3A_119 = vector.load %arg11[%swap3A_117, %swap3A_118] : memref<64x128xf32, #tpu.memory_space<vmem>>, vector<64x128xf32>
    tpu.vector_store %arg11[%swap3A_117, %swap3A_118], %add3A_116 {strides = array<i32>} : memref<64x128xf32, #tpu.memory_space<vmem>>, vector<64x128xf32>,
    %broadcast_in_dim3A_120 = arith.constant 0.000000e+00 : f32
    %broadcast_in_dim3A_121 = vector.broadcast %broadcast_in_dim3A_120 : f32 to vector<64x128xf32>
    %swap3A_122 = arith.constant 0 : index
    %swap3A_123 = arith.constant 0 : index
    %swap3A_124 = vector.load %arg10[%swap3A_122, %swap3A_123] : memref<64x128xf32, #tpu.memory_space<vmem>>, vector<64x128xf32>
    tpu.vector_store %arg10[%swap3A_122, %swap3A_123], %broadcast_in_dim3A_121 {strides = array<i32>} : memref<64x128xf32, #tpu.memory_space<vmem>>, vector<64x128xf32>,
    %scan3A_125 = arith.constant 4320 : i32
    %scan3A_126 = arith.constant 720 : i32
    %scan3A_127 = arith.addi %scan3A_125, %scan3A_126 : i32
    %scan3A_128 = arith.constant 1 : i32
    scf.for %scan3A_409 = %scan3A_125 to %scan3A_127 step %scan3A_128  : i32 {
      %get3A_410 = arith.index_cast %scan3A_409 : i32 to index
      %get3A_411 = memref.load %arg1[%get3A_410] : memref<10000xi32, #tpu.memory_space<smem>>
      %get3A_412 = arith.index_cast %get3A_411 : i32 to index
      %get3A_413 = arith.constant 0 : index
      %get3A_414 = vector.load %arg10[%get3A_412, %get3A_413] : memref<64x128xf32, #tpu.memory_space<vmem>>, vector<1x128xf32>
      %get3A_415 = arith.index_cast %scan3A_409 : i32 to index
      %get3A_416 = arith.constant 0 : index
      %get3A_417 = vector.load %arg0[%get3A_415, %get3A_416] : memref<10000x128xf32, #tpu.memory_space<vmem>>, vector<1x128xf32>
      %add3A_418 = arith.addf %get3A_414, %get3A_417 : vector<1x128xf32>
      %swap3A_419 = arith.index_cast %get3A_411 : i32 to index
      %swap3A_420 = arith.constant 0 : index
      %swap3A_421 = vector.load %arg10[%swap3A_419, %swap3A_420] : memref<64x128xf32, #tpu.memory_space<vmem>>, vector<1x128xf32>
      tpu.vector_store %arg10[%swap3A_419, %swap3A_420], %add3A_418 {strides = array<i32>} : memref<64x128xf32, #tpu.memory_space<vmem>>, vector<1x128xf32>,
    }
    %scan3A_129 = arith.constant 720 : i32
    %get3A_130 = arith.constant 0 : index
    %get3A_131 = arith.constant 0 : index
    %get3A_132 = vector.load %arg11[%get3A_130, %get3A_131] : memref<64x128xf32, #tpu.memory_space<vmem>>, vector<64x128xf32>
    %get3A_133 = arith.constant 0 : index
    %get3A_134 = arith.constant 0 : index
    %get3A_135 = vector.load %arg10[%get3A_133, %get3A_134] : memref<64x128xf32, #tpu.memory_space<vmem>>, vector<64x128xf32>
    %add3A_136 = arith.addf %get3A_132, %get3A_135 : vector<64x128xf32>
    %swap3A_137 = arith.constant 0 : index
    %swap3A_138 = arith.constant 0 : index
    %swap3A_139 = vector.load %arg11[%swap3A_137, %swap3A_138] : memref<64x128xf32, #tpu.memory_space<vmem>>, vector<64x128xf32>
    tpu.vector_store %arg11[%swap3A_137, %swap3A_138], %add3A_136 {strides = array<i32>} : memref<64x128xf32, #tpu.memory_space<vmem>>, vector<64x128xf32>,
    %broadcast_in_dim3A_140 = arith.constant 0.000000e+00 : f32
    %broadcast_in_dim3A_141 = vector.broadcast %broadcast_in_dim3A_140 : f32 to vector<64x128xf32>
    %swap3A_142 = arith.constant 0 : index
    %swap3A_143 = arith.constant 0 : index
    %swap3A_144 = vector.load %arg10[%swap3A_142, %swap3A_143] : memref<64x128xf32, #tpu.memory_space<vmem>>, vector<64x128xf32>
    tpu.vector_store %arg10[%swap3A_142, %swap3A_143], %broadcast_in_dim3A_141 {strides = array<i32>} : memref<64x128xf32, #tpu.memory_space<vmem>>, vector<64x128xf32>,
    %scan3A_145 = arith.constant 5040 : i32
    %scan3A_146 = arith.constant 720 : i32
    %scan3A_147 = arith.addi %scan3A_145, %scan3A_146 : i32
    %scan3A_148 = arith.constant 1 : i32
    scf.for %scan3A_409 = %scan3A_145 to %scan3A_147 step %scan3A_148  : i32 {
      %get3A_410 = arith.index_cast %scan3A_409 : i32 to index
      %get3A_411 = memref.load %arg1[%get3A_410] : memref<10000xi32, #tpu.memory_space<smem>>
      %get3A_412 = arith.index_cast %get3A_411 : i32 to index
      %get3A_413 = arith.constant 0 : index
      %get3A_414 = vector.load %arg10[%get3A_412, %get3A_413] : memref<64x128xf32, #tpu.memory_space<vmem>>, vector<1x128xf32>
      %get3A_415 = arith.index_cast %scan3A_409 : i32 to index
      %get3A_416 = arith.constant 0 : index
      %get3A_417 = vector.load %arg0[%get3A_415, %get3A_416] : memref<10000x128xf32, #tpu.memory_space<vmem>>, vector<1x128xf32>
      %add3A_418 = arith.addf %get3A_414, %get3A_417 : vector<1x128xf32>
      %swap3A_419 = arith.index_cast %get3A_411 : i32 to index
      %swap3A_420 = arith.constant 0 : index
      %swap3A_421 = vector.load %arg10[%swap3A_419, %swap3A_420] : memref<64x128xf32, #tpu.memory_space<vmem>>, vector<1x128xf32>
      tpu.vector_store %arg10[%swap3A_419, %swap3A_420], %add3A_418 {strides = array<i32>} : memref<64x128xf32, #tpu.memory_space<vmem>>, vector<1x128xf32>,
    }
    %scan3A_149 = arith.constant 720 : i32
    %get3A_150 = arith.constant 0 : index
    %get3A_151 = arith.constant 0 : index
    %get3A_152 = vector.load %arg11[%get3A_150, %get3A_151] : memref<64x128xf32, #tpu.memory_space<vmem>>, vector<64x128xf32>
    %get3A_153 = arith.constant 0 : index
    %get3A_154 = arith.constant 0 : index
    %get3A_155 = vector.load %arg10[%get3A_153, %get3A_154] : memref<64x128xf32, #tpu.memory_space<vmem>>, vector<64x128xf32>
    %add3A_156 = arith.addf %get3A_152, %get3A_155 : vector<64x128xf32>
    %swap3A_157 = arith.constant 0 : index
    %swap3A_158 = arith.constant 0 : index
    %swap3A_159 = vector.load %arg11[%swap3A_157, %swap3A_158] : memref<64x128xf32, #tpu.memory_space<vmem>>, vector<64x128xf32>
    tpu.vector_store %arg11[%swap3A_157, %swap3A_158], %add3A_156 {strides = array<i32>} : memref<64x128xf32, #tpu.memory_space<vmem>>, vector<64x128xf32>,
    %broadcast_in_dim3A_160 = arith.constant 0.000000e+00 : f32
    %broadcast_in_dim3A_161 = vector.broadcast %broadcast_in_dim3A_160 : f32 to vector<64x128xf32>
    %swap3A_162 = arith.constant 0 : index
    %swap3A_163 = arith.constant 0 : index
    %swap3A_164 = vector.load %arg10[%swap3A_162, %swap3A_163] : memref<64x128xf32, #tpu.memory_space<vmem>>, vector<64x128xf32>
    tpu.vector_store %arg10[%swap3A_162, %swap3A_163], %broadcast_in_dim3A_161 {strides = array<i32>} : memref<64x128xf32, #tpu.memory_space<vmem>>, vector<64x128xf32>,
    %scan3A_165 = arith.constant 5760 : i32
    %scan3A_166 = arith.constant 720 : i32
    %scan3A_167 = arith.addi %scan3A_165, %scan3A_166 : i32
    %scan3A_168 = arith.constant 1 : i32
    scf.for %scan3A_409 = %scan3A_165 to %scan3A_167 step %scan3A_168  : i32 {
      %get3A_410 = arith.index_cast %scan3A_409 : i32 to index
      %get3A_411 = memref.load %arg1[%get3A_410] : memref<10000xi32, #tpu.memory_space<smem>>
      %get3A_412 = arith.index_cast %get3A_411 : i32 to index
      %get3A_413 = arith.constant 0 : index
      %get3A_414 = vector.load %arg10[%get3A_412, %get3A_413] : memref<64x128xf32, #tpu.memory_space<vmem>>, vector<1x128xf32>
      %get3A_415 = arith.index_cast %scan3A_409 : i32 to index
      %get3A_416 = arith.constant 0 : index
      %get3A_417 = vector.load %arg0[%get3A_415, %get3A_416] : memref<10000x128xf32, #tpu.memory_space<vmem>>, vector<1x128xf32>
      %add3A_418 = arith.addf %get3A_414, %get3A_417 : vector<1x128xf32>
      %swap3A_419 = arith.index_cast %get3A_411 : i32 to index
      %swap3A_420 = arith.constant 0 : index
      %swap3A_421 = vector.load %arg10[%swap3A_419, %swap3A_420] : memref<64x128xf32, #tpu.memory_space<vmem>>, vector<1x128xf32>
      tpu.vector_store %arg10[%swap3A_419, %swap3A_420], %add3A_418 {strides = array<i32>} : memref<64x128xf32, #tpu.memory_space<vmem>>, vector<1x128xf32>,
    }
    %scan3A_169 = arith.constant 720 : i32
    %get3A_170 = arith.constant 0 : index
    %get3A_171 = arith.constant 0 : index
    %get3A_172 = vector.load %arg11[%get3A_170, %get3A_171] : memref<64x128xf32, #tpu.memory_space<vmem>>, vector<64x128xf32>
    %get3A_173 = arith.constant 0 : index
    %get3A_174 = arith.constant 0 : index
    %get3A_175 = vector.load %arg10[%get3A_173, %get3A_174] : memref<64x128xf32, #tpu.memory_space<vmem>>, vector<64x128xf32>
    %add3A_176 = arith.addf %get3A_172, %get3A_175 : vector<64x128xf32>
    %swap3A_177 = arith.constant 0 : index
    %swap3A_178 = arith.constant 0 : index
    %swap3A_179 = vector.load %arg11[%swap3A_177, %swap3A_178] : memref<64x128xf32, #tpu.memory_space<vmem>>, vector<64x128xf32>
    tpu.vector_store %arg11[%swap3A_177, %swap3A_178], %add3A_176 {strides = array<i32>} : memref<64x128xf32, #tpu.memory_space<vmem>>, vector<64x128xf32>,
    %broadcast_in_dim3A_180 = arith.constant 0.000000e+00 : f32
    %broadcast_in_dim3A_181 = vector.broadcast %broadcast_in_dim3A_180 : f32 to vector<64x128xf32>
    %swap3A_182 = arith.constant 0 : index
    %swap3A_183 = arith.constant 0 : index
    %swap3A_184 = vector.load %arg10[%swap3A_182, %swap3A_183] : memref<64x128xf32, #tpu.memory_space<vmem>>, vector<64x128xf32>
    tpu.vector_store %arg10[%swap3A_182, %swap3A_183], %broadcast_in_dim3A_181 {strides = array<i32>} : memref<64x128xf32, #tpu.memory_space<vmem>>, vector<64x128xf32>,
    %scan3A_185 = arith.constant 6480 : i32
    %scan3A_186 = arith.constant 720 : i32
    %scan3A_187 = arith.addi %scan3A_185, %scan3A_186 : i32
    %scan3A_188 = arith.constant 1 : i32
    scf.for %scan3A_409 = %scan3A_185 to %scan3A_187 step %scan3A_188  : i32 {
      %get3A_410 = arith.index_cast %scan3A_409 : i32 to index
      %get3A_411 = memref.load %arg1[%get3A_410] : memref<10000xi32, #tpu.memory_space<smem>>
      %get3A_412 = arith.index_cast %get3A_411 : i32 to index
      %get3A_413 = arith.constant 0 : index
      %get3A_414 = vector.load %arg10[%get3A_412, %get3A_413] : memref<64x128xf32, #tpu.memory_space<vmem>>, vector<1x128xf32>
      %get3A_415 = arith.index_cast %scan3A_409 : i32 to index
      %get3A_416 = arith.constant 0 : index
      %get3A_417 = vector.load %arg0[%get3A_415, %get3A_416] : memref<10000x128xf32, #tpu.memory_space<vmem>>, vector<1x128xf32>
      %add3A_418 = arith.addf %get3A_414, %get3A_417 : vector<1x128xf32>
      %swap3A_419 = arith.index_cast %get3A_411 : i32 to index
      %swap3A_420 = arith.constant 0 : index
      %swap3A_421 = vector.load %arg10[%swap3A_419, %swap3A_420] : memref<64x128xf32, #tpu.memory_space<vmem>>, vector<1x128xf32>
      tpu.vector_store %arg10[%swap3A_419, %swap3A_420], %add3A_418 {strides = array<i32>} : memref<64x128xf32, #tpu.memory_space<vmem>>, vector<1x128xf32>,
    }
    %scan3A_189 = arith.constant 720 : i32
    %get3A_190 = arith.constant 0 : index
    %get3A_191 = arith.constant 0 : index
    %get3A_192 = vector.load %arg11[%get3A_190, %get3A_191] : memref<64x128xf32, #tpu.memory_space<vmem>>, vector<64x128xf32>
    %get3A_193 = arith.constant 0 : index
    %get3A_194 = arith.constant 0 : index
    %get3A_195 = vector.load %arg10[%get3A_193, %get3A_194] : memref<64x128xf32, #tpu.memory_space<vmem>>, vector<64x128xf32>
    %add3A_196 = arith.addf %get3A_192, %get3A_195 : vector<64x128xf32>
    %swap3A_197 = arith.constant 0 : index
    %swap3A_198 = arith.constant 0 : index
    %swap3A_199 = vector.load %arg11[%swap3A_197, %swap3A_198] : memref<64x128xf32, #tpu.memory_space<vmem>>, vector<64x128xf32>
    tpu.vector_store %arg11[%swap3A_197, %swap3A_198], %add3A_196 {strides = array<i32>} : memref<64x128xf32, #tpu.memory_space<vmem>>, vector<64x128xf32>,
    %broadcast_in_dim3A_200 = arith.constant 0.000000e+00 : f32
    %broadcast_in_dim3A_201 = vector.broadcast %broadcast_in_dim3A_200 : f32 to vector<64x128xf32>
    %swap3A_202 = arith.constant 0 : index
    %swap3A_203 = arith.constant 0 : index
    %swap3A_204 = vector.load %arg10[%swap3A_202, %swap3A_203] : memref<64x128xf32, #tpu.memory_space<vmem>>, vector<64x128xf32>
    tpu.vector_store %arg10[%swap3A_202, %swap3A_203], %broadcast_in_dim3A_201 {strides = array<i32>} : memref<64x128xf32, #tpu.memory_space<vmem>>, vector<64x128xf32>,
    %scan3A_205 = arith.constant 7200 : i32
    %scan3A_206 = arith.constant 480 : i32
    %scan3A_207 = arith.addi %scan3A_205, %scan3A_206 : i32
    %scan3A_208 = arith.constant 1 : i32
    scf.for %scan3A_409 = %scan3A_205 to %scan3A_207 step %scan3A_208  : i32 {
      %get3A_410 = arith.index_cast %scan3A_409 : i32 to index
      %get3A_411 = memref.load %arg1[%get3A_410] : memref<10000xi32, #tpu.memory_space<smem>>
      %get3A_412 = arith.index_cast %get3A_411 : i32 to index
      %get3A_413 = arith.constant 0 : index
      %get3A_414 = vector.load %arg10[%get3A_412, %get3A_413] : memref<64x128xf32, #tpu.memory_space<vmem>>, vector<1x128xf32>
      %get3A_415 = arith.index_cast %scan3A_409 : i32 to index
      %get3A_416 = arith.constant 0 : index
      %get3A_417 = vector.load %arg0[%get3A_415, %get3A_416] : memref<10000x128xf32, #tpu.memory_space<vmem>>, vector<1x128xf32>
      %add3A_418 = arith.addf %get3A_414, %get3A_417 : vector<1x128xf32>
      %swap3A_419 = arith.index_cast %get3A_411 : i32 to index
      %swap3A_420 = arith.constant 0 : index
      %swap3A_421 = vector.load %arg10[%swap3A_419, %swap3A_420] : memref<64x128xf32, #tpu.memory_space<vmem>>, vector<1x128xf32>
      tpu.vector_store %arg10[%swap3A_419, %swap3A_420], %add3A_418 {strides = array<i32>} : memref<64x128xf32, #tpu.memory_space<vmem>>, vector<1x128xf32>,
    }
    %scan3A_209 = arith.constant 480 : i32
    %get3A_210 = arith.constant 0 : index
    %get3A_211 = arith.constant 0 : index
    %get3A_212 = vector.load %arg11[%get3A_210, %get3A_211] : memref<64x128xf32, #tpu.memory_space<vmem>>, vector<64x128xf32>
    %get3A_213 = arith.constant 0 : index
    %get3A_214 = arith.constant 0 : index
    %get3A_215 = vector.load %arg10[%get3A_213, %get3A_214] : memref<64x128xf32, #tpu.memory_space<vmem>>, vector<64x128xf32>
    %add3A_216 = arith.addf %get3A_212, %get3A_215 : vector<64x128xf32>
    %swap3A_217 = arith.constant 0 : index
    %swap3A_218 = arith.constant 0 : index
    %swap3A_219 = vector.load %arg11[%swap3A_217, %swap3A_218] : memref<64x128xf32, #tpu.memory_space<vmem>>, vector<64x128xf32>
    tpu.vector_store %arg11[%swap3A_217, %swap3A_218], %add3A_216 {strides = array<i32>} : memref<64x128xf32, #tpu.memory_space<vmem>>, vector<64x128xf32>,
    %broadcast_in_dim3A_220 = arith.constant 0.000000e+00 : f32
    %broadcast_in_dim3A_221 = vector.broadcast %broadcast_in_dim3A_220 : f32 to vector<64x128xf32>
    %swap3A_222 = arith.constant 0 : index
    %swap3A_223 = arith.constant 0 : index
    %swap3A_224 = vector.load %arg10[%swap3A_222, %swap3A_223] : memref<64x128xf32, #tpu.memory_space<vmem>>, vector<64x128xf32>
    tpu.vector_store %arg10[%swap3A_222, %swap3A_223], %broadcast_in_dim3A_221 {strides = array<i32>} : memref<64x128xf32, #tpu.memory_space<vmem>>, vector<64x128xf32>,
    %scan3A_225 = arith.constant 7680 : i32
    %scan3A_226 = arith.constant 480 : i32
    %scan3A_227 = arith.addi %scan3A_225, %scan3A_226 : i32
    %scan3A_228 = arith.constant 1 : i32
    scf.for %scan3A_409 = %scan3A_225 to %scan3A_227 step %scan3A_228  : i32 {
      %get3A_410 = arith.index_cast %scan3A_409 : i32 to index
      %get3A_411 = memref.load %arg1[%get3A_410] : memref<10000xi32, #tpu.memory_space<smem>>
      %get3A_412 = arith.index_cast %get3A_411 : i32 to index
      %get3A_413 = arith.constant 0 : index
      %get3A_414 = vector.load %arg10[%get3A_412, %get3A_413] : memref<64x128xf32, #tpu.memory_space<vmem>>, vector<1x128xf32>
      %get3A_415 = arith.index_cast %scan3A_409 : i32 to index
      %get3A_416 = arith.constant 0 : index
      %get3A_417 = vector.load %arg0[%get3A_415, %get3A_416] : memref<10000x128xf32, #tpu.memory_space<vmem>>, vector<1x128xf32>
      %add3A_418 = arith.addf %get3A_414, %get3A_417 : vector<1x128xf32>
      %swap3A_419 = arith.index_cast %get3A_411 : i32 to index
      %swap3A_420 = arith.constant 0 : index
      %swap3A_421 = vector.load %arg10[%swap3A_419, %swap3A_420] : memref<64x128xf32, #tpu.memory_space<vmem>>, vector<1x128xf32>
      tpu.vector_store %arg10[%swap3A_419, %swap3A_420], %add3A_418 {strides = array<i32>} : memref<64x128xf32, #tpu.memory_space<vmem>>, vector<1x128xf32>,
    }
    %scan3A_229 = arith.constant 480 : i32
    %get3A_230 = arith.constant 0 : index
    %get3A_231 = arith.constant 0 : index
    %get3A_232 = vector.load %arg11[%get3A_230, %get3A_231] : memref<64x128xf32, #tpu.memory_space<vmem>>, vector<64x128xf32>
    %get3A_233 = arith.constant 0 : index
    %get3A_234 = arith.constant 0 : index
    %get3A_235 = vector.load %arg10[%get3A_233, %get3A_234] : memref<64x128xf32, #tpu.memory_space<vmem>>, vector<64x128xf32>
    %add3A_236 = arith.addf %get3A_232, %get3A_235 : vector<64x128xf32>
    %swap3A_237 = arith.constant 0 : index
    %swap3A_238 = arith.constant 0 : index
    %swap3A_239 = vector.load %arg11[%swap3A_237, %swap3A_238] : memref<64x128xf32, #tpu.memory_space<vmem>>, vector<64x128xf32>
    tpu.vector_store %arg11[%swap3A_237, %swap3A_238], %add3A_236 {strides = array<i32>} : memref<64x128xf32, #tpu.memory_space<vmem>>, vector<64x128xf32>,
    %broadcast_in_dim3A_240 = arith.constant 0.000000e+00 : f32
    %broadcast_in_dim3A_241 = vector.broadcast %broadcast_in_dim3A_240 : f32 to vector<64x128xf32>
    %swap3A_242 = arith.constant 0 : index
    %swap3A_243 = arith.constant 0 : index
    %swap3A_244 = vector.load %arg10[%swap3A_242, %swap3A_243] : memref<64x128xf32, #tpu.memory_space<vmem>>, vector<64x128xf32>
    tpu.vector_store %arg10[%swap3A_242, %swap3A_243], %broadcast_in_dim3A_241 {strides = array<i32>} : memref<64x128xf32, #tpu.memory_space<vmem>>, vector<64x128xf32>,
    %scan3A_245 = arith.constant 8160 : i32
    %scan3A_246 = arith.constant 480 : i32
    %scan3A_247 = arith.addi %scan3A_245, %scan3A_246 : i32
    %scan3A_248 = arith.constant 1 : i32
    scf.for %scan3A_409 = %scan3A_245 to %scan3A_247 step %scan3A_248  : i32 {
      %get3A_410 = arith.index_cast %scan3A_409 : i32 to index
      %get3A_411 = memref.load %arg1[%get3A_410] : memref<10000xi32, #tpu.memory_space<smem>>
      %get3A_412 = arith.index_cast %get3A_411 : i32 to index
      %get3A_413 = arith.constant 0 : index
      %get3A_414 = vector.load %arg10[%get3A_412, %get3A_413] : memref<64x128xf32, #tpu.memory_space<vmem>>, vector<1x128xf32>
      %get3A_415 = arith.index_cast %scan3A_409 : i32 to index
      %get3A_416 = arith.constant 0 : index
      %get3A_417 = vector.load %arg0[%get3A_415, %get3A_416] : memref<10000x128xf32, #tpu.memory_space<vmem>>, vector<1x128xf32>
      %add3A_418 = arith.addf %get3A_414, %get3A_417 : vector<1x128xf32>
      %swap3A_419 = arith.index_cast %get3A_411 : i32 to index
      %swap3A_420 = arith.constant 0 : index
      %swap3A_421 = vector.load %arg10[%swap3A_419, %swap3A_420] : memref<64x128xf32, #tpu.memory_space<vmem>>, vector<1x128xf32>
      tpu.vector_store %arg10[%swap3A_419, %swap3A_420], %add3A_418 {strides = array<i32>} : memref<64x128xf32, #tpu.memory_space<vmem>>, vector<1x128xf32>,
    }
    %scan3A_249 = arith.constant 480 : i32
    %get3A_250 = arith.constant 0 : index
    %get3A_251 = arith.constant 0 : index
    %get3A_252 = vector.load %arg11[%get3A_250, %get3A_251] : memref<64x128xf32, #tpu.memory_space<vmem>>, vector<64x128xf32>
    %get3A_253 = arith.constant 0 : index
    %get3A_254 = arith.constant 0 : index
    %get3A_255 = vector.load %arg10[%get3A_253, %get3A_254] : memref<64x128xf32, #tpu.memory_space<vmem>>, vector<64x128xf32>
    %add3A_256 = arith.addf %get3A_252, %get3A_255 : vector<64x128xf32>
    %swap3A_257 = arith.constant 0 : index
    %swap3A_258 = arith.constant 0 : index
    %swap3A_259 = vector.load %arg11[%swap3A_257, %swap3A_258] : memref<64x128xf32, #tpu.memory_space<vmem>>, vector<64x128xf32>
    tpu.vector_store %arg11[%swap3A_257, %swap3A_258], %add3A_256 {strides = array<i32>} : memref<64x128xf32, #tpu.memory_space<vmem>>, vector<64x128xf32>,
    %broadcast_in_dim3A_260 = arith.constant 0.000000e+00 : f32
    %broadcast_in_dim3A_261 = vector.broadcast %broadcast_in_dim3A_260 : f32 to vector<64x128xf32>
    %swap3A_262 = arith.constant 0 : index
    %swap3A_263 = arith.constant 0 : index
    %swap3A_264 = vector.load %arg10[%swap3A_262, %swap3A_263] : memref<64x128xf32, #tpu.memory_space<vmem>>, vector<64x128xf32>
    tpu.vector_store %arg10[%swap3A_262, %swap3A_263], %broadcast_in_dim3A_261 {strides = array<i32>} : memref<64x128xf32, #tpu.memory_space<vmem>>, vector<64x128xf32>,
    %scan3A_265 = arith.constant 8640 : i32
    %scan3A_266 = arith.constant 480 : i32
    %scan3A_267 = arith.addi %scan3A_265, %scan3A_266 : i32
    %scan3A_268 = arith.constant 1 : i32
    scf.for %scan3A_409 = %scan3A_265 to %scan3A_267 step %scan3A_268  : i32 {
      %get3A_410 = arith.index_cast %scan3A_409 : i32 to index
      %get3A_411 = memref.load %arg1[%get3A_410] : memref<10000xi32, #tpu.memory_space<smem>>
      %get3A_412 = arith.index_cast %get3A_411 : i32 to index
      %get3A_413 = arith.constant 0 : index
      %get3A_414 = vector.load %arg10[%get3A_412, %get3A_413] : memref<64x128xf32, #tpu.memory_space<vmem>>, vector<1x128xf32>
      %get3A_415 = arith.index_cast %scan3A_409 : i32 to index
      %get3A_416 = arith.constant 0 : index
      %get3A_417 = vector.load %arg0[%get3A_415, %get3A_416] : memref<10000x128xf32, #tpu.memory_space<vmem>>, vector<1x128xf32>
      %add3A_418 = arith.addf %get3A_414, %get3A_417 : vector<1x128xf32>
      %swap3A_419 = arith.index_cast %get3A_411 : i32 to index
      %swap3A_420 = arith.constant 0 : index
      %swap3A_421 = vector.load %arg10[%swap3A_419, %swap3A_420] : memref<64x128xf32, #tpu.memory_space<vmem>>, vector<1x128xf32>
      tpu.vector_store %arg10[%swap3A_419, %swap3A_420], %add3A_418 {strides = array<i32>} : memref<64x128xf32, #tpu.memory_space<vmem>>, vector<1x128xf32>,
    }
    %scan3A_269 = arith.constant 480 : i32
    %get3A_270 = arith.constant 0 : index
    %get3A_271 = arith.constant 0 : index
    %get3A_272 = vector.load %arg11[%get3A_270, %get3A_271] : memref<64x128xf32, #tpu.memory_space<vmem>>, vector<64x128xf32>
    %get3A_273 = arith.constant 0 : index
    %get3A_274 = arith.constant 0 : index
    %get3A_275 = vector.load %arg10[%get3A_273, %get3A_274] : memref<64x128xf32, #tpu.memory_space<vmem>>, vector<64x128xf32>
    %add3A_276 = arith.addf %get3A_272, %get3A_275 : vector<64x128xf32>
    %swap3A_277 = arith.constant 0 : index
    %swap3A_278 = arith.constant 0 : index
    %swap3A_279 = vector.load %arg11[%swap3A_277, %swap3A_278] : memref<64x128xf32, #tpu.memory_space<vmem>>, vector<64x128xf32>
    tpu.vector_store %arg11[%swap3A_277, %swap3A_278], %add3A_276 {strides = array<i32>} : memref<64x128xf32, #tpu.memory_space<vmem>>, vector<64x128xf32>,
    %broadcast_in_dim3A_280 = arith.constant 0.000000e+00 : f32
    %broadcast_in_dim3A_281 = vector.broadcast %broadcast_in_dim3A_280 : f32 to vector<64x128xf32>
    %swap3A_282 = arith.constant 0 : index
    %swap3A_283 = arith.constant 0 : index
    %swap3A_284 = vector.load %arg10[%swap3A_282, %swap3A_283] : memref<64x128xf32, #tpu.memory_space<vmem>>, vector<64x128xf32>
    tpu.vector_store %arg10[%swap3A_282, %swap3A_283], %broadcast_in_dim3A_281 {strides = array<i32>} : memref<64x128xf32, #tpu.memory_space<vmem>>, vector<64x128xf32>,
    %scan3A_285 = arith.constant 9120 : i32
    %scan3A_286 = arith.constant 480 : i32
    %scan3A_287 = arith.addi %scan3A_285, %scan3A_286 : i32
    %scan3A_288 = arith.constant 1 : i32
    scf.for %scan3A_409 = %scan3A_285 to %scan3A_287 step %scan3A_288  : i32 {
      %get3A_410 = arith.index_cast %scan3A_409 : i32 to index
      %get3A_411 = memref.load %arg1[%get3A_410] : memref<10000xi32, #tpu.memory_space<smem>>
      %get3A_412 = arith.index_cast %get3A_411 : i32 to index
      %get3A_413 = arith.constant 0 : index
      %get3A_414 = vector.load %arg10[%get3A_412, %get3A_413] : memref<64x128xf32, #tpu.memory_space<vmem>>, vector<1x128xf32>
      %get3A_415 = arith.index_cast %scan3A_409 : i32 to index
      %get3A_416 = arith.constant 0 : index
      %get3A_417 = vector.load %arg0[%get3A_415, %get3A_416] : memref<10000x128xf32, #tpu.memory_space<vmem>>, vector<1x128xf32>
      %add3A_418 = arith.addf %get3A_414, %get3A_417 : vector<1x128xf32>
      %swap3A_419 = arith.index_cast %get3A_411 : i32 to index
      %swap3A_420 = arith.constant 0 : index
      %swap3A_421 = vector.load %arg10[%swap3A_419, %swap3A_420] : memref<64x128xf32, #tpu.memory_space<vmem>>, vector<1x128xf32>
      tpu.vector_store %arg10[%swap3A_419, %swap3A_420], %add3A_418 {strides = array<i32>} : memref<64x128xf32, #tpu.memory_space<vmem>>, vector<1x128xf32>,
    }
    %scan3A_289 = arith.constant 480 : i32
    %get3A_290 = arith.constant 0 : index
    %get3A_291 = arith.constant 0 : index
    %get3A_292 = vector.load %arg11[%get3A_290, %get3A_291] : memref<64x128xf32, #tpu.memory_space<vmem>>, vector<64x128xf32>
    %get3A_293 = arith.constant 0 : index
    %get3A_294 = arith.constant 0 : index
    %get3A_295 = vector.load %arg10[%get3A_293, %get3A_294] : memref<64x128xf32, #tpu.memory_space<vmem>>, vector<64x128xf32>
    %add3A_296 = arith.addf %get3A_292, %get3A_295 : vector<64x128xf32>
    %swap3A_297 = arith.constant 0 : index
    %swap3A_298 = arith.constant 0 : index
    %swap3A_299 = vector.load %arg11[%swap3A_297, %swap3A_298] : memref<64x128xf32, #tpu.memory_space<vmem>>, vector<64x128xf32>
    tpu.vector_store %arg11[%swap3A_297, %swap3A_298], %add3A_296 {strides = array<i32>} : memref<64x128xf32, #tpu.memory_space<vmem>>, vector<64x128xf32>,
    %broadcast_in_dim3A_300 = arith.constant 0.000000e+00 : f32
    %broadcast_in_dim3A_301 = vector.broadcast %broadcast_in_dim3A_300 : f32 to vector<64x128xf32>
    %swap3A_302 = arith.constant 0 : index
    %swap3A_303 = arith.constant 0 : index
    %swap3A_304 = vector.load %arg10[%swap3A_302, %swap3A_303] : memref<64x128xf32, #tpu.memory_space<vmem>>, vector<64x128xf32>
    tpu.vector_store %arg10[%swap3A_302, %swap3A_303], %broadcast_in_dim3A_301 {strides = array<i32>} : memref<64x128xf32, #tpu.memory_space<vmem>>, vector<64x128xf32>,
    %scan3A_305 = arith.constant 9600 : i32
    %scan3A_306 = arith.constant 400 : i32
    %scan3A_307 = arith.addi %scan3A_305, %scan3A_306 : i32
    %scan3A_308 = arith.constant 1 : i32
    scf.for %scan3A_409 = %scan3A_305 to %scan3A_307 step %scan3A_308  : i32 {
      %get3A_410 = arith.index_cast %scan3A_409 : i32 to index
      %get3A_411 = memref.load %arg1[%get3A_410] : memref<10000xi32, #tpu.memory_space<smem>>
      %get3A_412 = arith.index_cast %get3A_411 : i32 to index
      %get3A_413 = arith.constant 0 : index
      %get3A_414 = vector.load %arg10[%get3A_412, %get3A_413] : memref<64x128xf32, #tpu.memory_space<vmem>>, vector<1x128xf32>
      %get3A_415 = arith.index_cast %scan3A_409 : i32 to index
      %get3A_416 = arith.constant 0 : index
      %get3A_417 = vector.load %arg0[%get3A_415, %get3A_416] : memref<10000x128xf32, #tpu.memory_space<vmem>>, vector<1x128xf32>
      %add3A_418 = arith.addf %get3A_414, %get3A_417 : vector<1x128xf32>
      %swap3A_419 = arith.index_cast %get3A_411 : i32 to index
      %swap3A_420 = arith.constant 0 : index
      %swap3A_421 = vector.load %arg10[%swap3A_419, %swap3A_420] : memref<64x128xf32, #tpu.memory_space<vmem>>, vector<1x128xf32>
      tpu.vector_store %arg10[%swap3A_419, %swap3A_420], %add3A_418 {strides = array<i32>} : memref<64x128xf32, #tpu.memory_space<vmem>>, vector<1x128xf32>,
    }
    %scan3A_309 = arith.constant 400 : i32
    %get3A_310 = arith.constant 0 : index
    %get3A_311 = arith.constant 0 : index
    %get3A_312 = vector.load %arg11[%get3A_310, %get3A_311] : memref<64x128xf32, #tpu.memory_space<vmem>>, vector<64x128xf32>
    %get3A_313 = arith.constant 0 : index
    %get3A_314 = arith.constant 0 : index
    %get3A_315 = vector.load %arg10[%get3A_313, %get3A_314] : memref<64x128xf32, #tpu.memory_space<vmem>>, vector<64x128xf32>
    %add3A_316 = arith.addf %get3A_312, %get3A_315 : vector<64x128xf32>
    %swap3A_317 = arith.constant 0 : index
    %swap3A_318 = arith.constant 0 : index
    %swap3A_319 = vector.load %arg11[%swap3A_317, %swap3A_318] : memref<64x128xf32, #tpu.memory_space<vmem>>, vector<64x128xf32>
    tpu.vector_store %arg11[%swap3A_317, %swap3A_318], %add3A_316 {strides = array<i32>} : memref<64x128xf32, #tpu.memory_space<vmem>>, vector<64x128xf32>,
    %get3A_320 = arith.constant 0 : index
    %get3A_321 = arith.constant 0 : index
    %get3A_322 = vector.load %arg11[%get3A_320, %get3A_321] : memref<64x128xf32, #tpu.memory_space<vmem>>, vector<64x128xf32>
    %get3A_323 = arith.constant 0 : index
    %get3A_324 = arith.constant 0 : index
    %get3A_325 = vector.load %arg2[%get3A_323, %get3A_324] : memref<128x128xf32, #tpu.memory_space<vmem>>, vector<128x128xf32>
    %dot_general3A = arith.constant dense<0.000000e+00> : vector<64x128xf32>
    %dot_general3A_326 = tpu.matmul %get3A_322, %get3A_325, %dot_general3A {dimension_numbers = #tpu.dot_dimension_numbers<[1], [0], [0], [1], [0, 0, 1, 1], [], []>, transpose_lhs_hint = false} : vector<64x128xf32>, vector<128x128xf32>, vector<64x128xf32> -> vector<64x128xf32>
    %get3A_327 = arith.constant 0 : index
    %get3A_328 = arith.constant 0 : index
    %get3A_329 = vector.load %arg3[%get3A_327, %get3A_328] : memref<1x128xf32, #tpu.memory_space<vmem>>, vector<1x128xf32>
    %add3A_330 = vector.broadcast %get3A_329 : vector<1x128xf32> to vector<64x128xf32>
    %add3A_331 = arith.addf %dot_general3A_326, %add3A_330 : vector<64x128xf32>
    %get3A_332 = arith.constant 0 : index
    %get3A_333 = arith.constant 0 : index
    %get3A_334 = vector.load %arg4[%get3A_332, %get3A_333] : memref<1x128xf32, #tpu.memory_space<vmem>>, vector<1x128xf32>
    %get3A_335 = arith.constant 0 : index
    %get3A_336 = arith.constant 0 : index
    %get3A_337 = vector.load %arg5[%get3A_335, %get3A_336] : memref<1x128xf32, #tpu.memory_space<vmem>>, vector<1x128xf32>
    %swap3A_338 = arith.constant 0 : index
    %swap3A_339 = arith.constant 0 : index
    %swap3A_340 = vector.load %arg9[%swap3A_338, %swap3A_339] : memref<64x128xf32, #tpu.memory_space<vmem>>, vector<64x128xf32>
    tpu.vector_store %arg9[%swap3A_338, %swap3A_339], %add3A_331 {strides = array<i32>} : memref<64x128xf32, #tpu.memory_space<vmem>>, vector<64x128xf32>,
    %broadcast_in_dim3A_341 = arith.constant 0.000000e+00 : f32
    %broadcast_in_dim3A_342 = vector.broadcast %broadcast_in_dim3A_341 : f32 to vector<8x128xf32>
    %scan3A_343 = arith.constant 0 : i32
    %scan3A_344 = arith.constant 8 : i32
    %scan3A_345 = arith.addi %scan3A_343, %scan3A_344 : i32
    %scan3A_346 = arith.constant 1 : i32
    %scan3A_347 = scf.for %scan3A_409 = %scan3A_343 to %scan3A_345 step %scan3A_346 iter_args(%scan3A_410 = %broadcast_in_dim3A_342) -> (vector<8x128xf32>)  : i32 {
      %mul3A_411 = arith.constant 8 : i32
      %mul3A_412 = arith.muli %scan3A_409, %mul3A_411 : i32
      %add3A_413 = arith.constant 0 : i32
      %add3A_414 = arith.addi %add3A_413, %mul3A_412 : i32
      %get3A_415 = arith.index_cast %add3A_414 : i32 to index
      %get3A_416 = arith.constant 0 : index
      %get3A_417 = vector.load %arg9[%get3A_415, %get3A_416] : memref<64x128xf32, #tpu.memory_space<vmem>>, vector<8x128xf32>
      %add3A_418 = arith.addf %scan3A_410, %get3A_417 : vector<8x128xf32>
      scf.yield %add3A_418 : vector<8x128xf32>
    }
    %scan3A_348 = arith.constant 8 : i32
    %slice3A = vector.extract_strided_slice %scan3A_347 {offsets = [0, 0], sizes = [4, 128], strides = [1, 1]} : vector<8x128xf32> to vector<4x128xf32>
    %slice3A_349 = vector.extract_strided_slice %scan3A_347 {offsets = [4, 0], sizes = [4, 128], strides = [1, 1]} : vector<8x128xf32> to vector<4x128xf32>
    %add3A_350 = arith.addf %slice3A, %slice3A_349 : vector<4x128xf32>
    %slice3A_351 = vector.extract_strided_slice %add3A_350 {offsets = [0, 0], sizes = [2, 128], strides = [1, 1]} : vector<4x128xf32> to vector<2x128xf32>
    %slice3A_352 = vector.extract_strided_slice %add3A_350 {offsets = [2, 0], sizes = [2, 128], strides = [1, 1]} : vector<4x128xf32> to vector<2x128xf32>
    %add3A_353 = arith.addf %slice3A_351, %slice3A_352 : vector<2x128xf32>
    %slice3A_354 = vector.extract_strided_slice %add3A_353 {offsets = [0, 0], sizes = [1, 128], strides = [1, 1]} : vector<2x128xf32> to vector<1x128xf32>
    %slice3A_355 = vector.extract_strided_slice %add3A_353 {offsets = [1, 0], sizes = [1, 128], strides = [1, 1]} : vector<2x128xf32> to vector<1x128xf32>
    %add3A_356 = arith.addf %slice3A_354, %slice3A_355 : vector<1x128xf32>
    %mul3A = arith.constant 1.562500e-02 : f32
    %mul3A_357 = vector.broadcast %mul3A : f32 to vector<1x128xf32>
    %mul3A_358 = arith.mulf %add3A_356, %mul3A_357 : vector<1x128xf32>
    %sub3A = vector.broadcast %mul3A_358 : vector<1x128xf32> to vector<64x128xf32>
    %sub3A_359 = arith.subf %add3A_331, %sub3A : vector<64x128xf32>
    %mul3A_360 = arith.mulf %sub3A_359, %sub3A_359 : vector<64x128xf32>
    %swap3A_361 = arith.constant 0 : index
    %swap3A_362 = arith.constant 0 : index
    %swap3A_363 = vector.load %arg9[%swap3A_361, %swap3A_362] : memref<64x128xf32, #tpu.memory_space<vmem>>, vector<64x128xf32>
    tpu.vector_store %arg9[%swap3A_361, %swap3A_362], %mul3A_360 {strides = array<i32>} : memref<64x128xf32, #tpu.memory_space<vmem>>, vector<64x128xf32>,
    %broadcast_in_dim3A_364 = arith.constant 0.000000e+00 : f32
    %broadcast_in_dim3A_365 = vector.broadcast %broadcast_in_dim3A_364 : f32 to vector<8x128xf32>
    %scan3A_366 = arith.constant 0 : i32
    %scan3A_367 = arith.constant 8 : i32
    %scan3A_368 = arith.addi %scan3A_366, %scan3A_367 : i32
    %scan3A_369 = arith.constant 1 : i32
    %scan3A_370 = scf.for %scan3A_409 = %scan3A_366 to %scan3A_368 step %scan3A_369 iter_args(%scan3A_410 = %broadcast_in_dim3A_365) -> (vector<8x128xf32>)  : i32 {
      %mul3A_411 = arith.constant 8 : i32
      %mul3A_412 = arith.muli %scan3A_409, %mul3A_411 : i32
      %add3A_413 = arith.constant 0 : i32
      %add3A_414 = arith.addi %add3A_413, %mul3A_412 : i32
      %get3A_415 = arith.index_cast %add3A_414 : i32 to index
      %get3A_416 = arith.constant 0 : index
      %get3A_417 = vector.load %arg9[%get3A_415, %get3A_416] : memref<64x128xf32, #tpu.memory_space<vmem>>, vector<8x128xf32>
      %add3A_418 = arith.addf %scan3A_410, %get3A_417 : vector<8x128xf32>
      scf.yield %add3A_418 : vector<8x128xf32>
    }
    %scan3A_371 = arith.constant 8 : i32
    %slice3A_372 = vector.extract_strided_slice %scan3A_370 {offsets = [0, 0], sizes = [4, 128], strides = [1, 1]} : vector<8x128xf32> to vector<4x128xf32>
    %slice3A_373 = vector.extract_strided_slice %scan3A_370 {offsets = [4, 0], sizes = [4, 128], strides = [1, 1]} : vector<8x128xf32> to vector<4x128xf32>
    %add3A_374 = arith.addf %slice3A_372, %slice3A_373 : vector<4x128xf32>
    %slice3A_375 = vector.extract_strided_slice %add3A_374 {offsets = [0, 0], sizes = [2, 128], strides = [1, 1]} : vector<4x128xf32> to vector<2x128xf32>
    %slice3A_376 = vector.extract_strided_slice %add3A_374 {offsets = [2, 0], sizes = [2, 128], strides = [1, 1]} : vector<4x128xf32> to vector<2x128xf32>
    %add3A_377 = arith.addf %slice3A_375, %slice3A_376 : vector<2x128xf32>
    %slice3A_378 = vector.extract_strided_slice %add3A_377 {offsets = [0, 0], sizes = [1, 128], strides = [1, 1]} : vector<2x128xf32> to vector<1x128xf32>
    %slice3A_379 = vector.extract_strided_slice %add3A_377 {offsets = [1, 0], sizes = [1, 128], strides = [1, 1]} : vector<2x128xf32> to vector<1x128xf32>
    %add3A_380 = arith.addf %slice3A_378, %slice3A_379 : vector<1x128xf32>
    %mul3A_381 = arith.constant 1.562500e-02 : f32
    %mul3A_382 = vector.broadcast %mul3A_381 : f32 to vector<1x128xf32>
    %mul3A_383 = arith.mulf %add3A_380, %mul3A_382 : vector<1x128xf32>
    %sub3A_384 = vector.broadcast %mul3A_358 : vector<1x128xf32> to vector<64x128xf32>
    %sub3A_385 = arith.subf %add3A_331, %sub3A_384 : vector<64x128xf32>
    %add3A_386 = arith.constant 9.99999974E-6 : f32
    %add3A_387 = vector.broadcast %add3A_386 : f32 to vector<1x128xf32>
    %add3A_388 = arith.addf %mul3A_383, %add3A_387 : vector<1x128xf32>
    %sqrt3A = math.sqrt %add3A_388 : vector<1x128xf32>
    %div3A = vector.broadcast %sqrt3A : vector<1x128xf32> to vector<64x128xf32>
    %div3A_389 = arith.divf %sub3A_385, %div3A : vector<64x128xf32>
    %mul3A_390 = vector.broadcast %get3A_334 : vector<1x128xf32> to vector<64x128xf32>
    %mul3A_391 = arith.mulf %div3A_389, %mul3A_390 : vector<64x128xf32>
    %add3A_392 = vector.broadcast %get3A_337 : vector<1x128xf32> to vector<64x128xf32>
    %add3A_393 = arith.addf %mul3A_391, %add3A_392 : vector<64x128xf32>
    %max3A = arith.constant 0.000000e+00 : f32
    %max3A_394 = vector.broadcast %max3A : f32 to vector<64x128xf32>
    %max3A_395 = arith.maximumf %add3A_393, %max3A_394 : vector<64x128xf32>
    %get3A_396 = arith.constant 0 : index
    %get3A_397 = arith.constant 0 : index
    %get3A_398 = vector.load %arg6[%get3A_396, %get3A_397] : memref<128x1xf32, #tpu.memory_space<vmem>>, vector<128x1xf32>
    %dot_general3A_399 = arith.constant dense<0.000000e+00> : vector<64x1xf32>
    %dot_general3A_400 = tpu.matmul %max3A_395, %get3A_398, %dot_general3A_399 {dimension_numbers = #tpu.dot_dimension_numbers<[1], [0], [0], [1], [0, 0, 1, 1], [], []>, transpose_lhs_hint = false} : vector<64x128xf32>, vector<128x1xf32>, vector<64x1xf32> -> vector<64x1xf32>
    %get3A_401 = arith.constant 0 : index
    %get3A_402 = arith.constant 0 : index
    %get3A_403 = vector.load %arg7[%get3A_401, %get3A_402] : memref<1x1xf32, #tpu.memory_space<vmem>>, vector<1x1xf32>
    %add3A_404 = vector.broadcast %get3A_403 : vector<1x1xf32> to vector<64x1xf32>
    %add3A_405 = arith.addf %dot_general3A_400, %add3A_404 : vector<64x1xf32>
    %swap3A_406 = arith.constant 0 : index
    %swap3A_407 = arith.constant 0 : index
    %swap3A_408 = vector.load %arg8[%swap3A_406, %swap3A_407] : memref<64x1xf32, #tpu.memory_space<vmem>>, vector<64x1xf32>
    tpu.vector_store %arg8[%swap3A_406, %swap3A_407], %add3A_405 {strides = array<i32>} : memref<64x1xf32, #tpu.memory_space<vmem>>, vector<64x1xf32>,
    return
  }
}

</mosaic_0001>

<sc_bundles>
// kernel: kernel.12.cloned.1.call-start
scs
__scs_entry_jumppad:
0x0: {  	(pc) =	sbr.rel $0x88, $3  }
0x1: {  	(tag) =	ssettag $0x0;
	lr =	simm.s32 $0x1  }
0x2: {  	[smem:$0x3F80] =	sst lr;
	_ =	strace $0xD0000000  }
0x3: {  	_ = 	snop  }
0x4: {  	_ = 	snop  }
0x5: {  	_ = 	snop  }
0x6: {  	_ = 	snop  }
0x7: {  	_ = 	snop  }
__scs_overlays_trampoline_lowered:
0x8: {  	[smem:$0x3F8F] =	sst s0  }
0x9: {  	[smem:$0x3F90] =	sst s1  }
0xa: {  	[smem:$0x3F91] =	sst s2  }
0xb: {  	[smem:$0x3F92] =	sst s3  }
0xc: {  	[smem:$0x3F93] =	sst s4  }
0xd: {  	[smem:$0x3F94] =	sst s5  }
0xe: {  	[smem:$0x3F95] =	sst s6  }
0xf: {  	[smem:$0x3F96] =	sst s7  }
0x10: {  	[smem:$0x3F97] =	sst s8  }
0x11: {  	[smem:$0x3F98] =	sst s9;
	s0 =	simm.s32 @!p0 $0x0  }
0x12: {  	s1 =	sld [smem:$0x3F7E];
	s0 =	simm.s32 @p0 $0x1  }
0x13: {  	[smem:$0x3F99] =	sst s0;
	s0 =	simm.s32 @!p1 $0x0  }
0x14: {  	s2 =	sld [smem:$0x3F7D];
	s0 =	simm.s32 @p1 $0x1  }
0x15: {  	[smem:$0x3F9A] =	sst s0;
	s0 =	simm.s32 @!p2 $0x0  }
0x16: {  	s3 =	sld [smem:$0x3FDB];
	s0 =	simm.s32 @p2 $0x1  }
0x17: {  	s4 =	simm.s32 $0x1BF5;
	[smem:$0x3F9C] =	sst s0  }
0x18: {  	s0 =	sld [smem:$0x3F7F];
	_ =	swait.ge [sflag:s4], $0x0  }
0x19: {  	s7 =	sld [smem:$0x3F80]  }
0x1a: {  	s8 =	sadd.s32 $0xFFFFE003, lr  }
0x1b: {  	s9 =	sadd.s32 $0xFFFFFEF7, lr;
	s5 =	simm.s32 $0xFFFFFFFF;
	p2 =	slt.u32 s8, $0xFFFFF086  }
0x1c: {  	p1 =	slt.u32 s9, $0xF7A;
	s5 =	simm.s32 @!p2 $0x0  }
0x1d: {  	s5 =	simm.s32 @p1 $0x1;
	p0 =	seq.s32 s7, s2  }
0x1e: {  	s7 =	smul.u32 @!p0 $0xF7A, s2;
	p2 =	seq.s32 @!p0 s5, $0x0  }
0x1f: {  	s9 =	smul.u32 $0xF7A, s1;
	s8 =	simm.s32 @!p0 $0x1BF5;
	p2 =	por !p2, p0  }
0x20: {  	[sflag:s8] =	ssyncset.s32 @!p0 $0xFFFFF086;
	s6 =	sadd.s32 @!p0 s3, s7;
	s7 =	simm.s32 @!p0 $0x108  }
0x21: {  	s3 =	sadd.s32 s3, s9;
	s6 =	sadd.s32 @!p0 $0x88, s6;
	s7 =	simm.s32 @p2 $0x1082  }
0x22: {  	[simem:s7], [sflag:s8] =	dma.local @!p0 [hbm:s6], $0xF7A  }
0x23: {  	s9 =	sor.u32 $0xD0000000, s2;
	s6 =	simm.s32 $0x108;
	_ =	swait.ge @!p0 [sflag:s8], $0x0  }
0x24: {  	s3 =	sadd.s32 $0x88, s3;
	s6 =	simm.s32 @!p1 $0x1082;
	[sflag:s4] =	ssyncset.s32 $0xFFFFF086  }
0x25: {  	[simem:s6], [sflag:s4] =	dma.local [hbm:s3], $0xF7A  }
0x26: {  	[smem:$0x3F80] =	sst s1;
	(tag) =	ssettag s2;
	_ =	strace s9  }
0x27: {  	s1 =	sld [smem:$0x3F90]  }
0x28: {  	s2 =	sld [smem:$0x3F91]  }
0x29: {  	s4 =	sld [smem:$0x3F93]  }
0x2a: {  	p0 =	seq.s32 s5, $0x0;
	s5 =	sld [smem:$0x3F94]  }
0x2b: {  	s6 =	sld [smem:$0x3F95]  }
0x2c: {  	s7 =	sld [smem:$0x3F96]  }
0x2d: {  	s3 =	simm.s32 $0x108;
	s8 =	sld [smem:$0x3F97]  }
0x2e: {  	s3 =	simm.s32 @!p0 $0x1082;
	s9 =	sld [smem:$0x3F98]  }
0x2f: {  	lr =	sadd.s32 s0, s3;
	s0 =	sld [smem:$0x3F8F]  }
0x30: {  	s3 =	sld [smem:$0x3F92]  }
0x31: {  	[smem:$0x3F9B] =	sst s10  }
0x32: {  	s10 =	sld [smem:$0x3F99];
	_ =	sdelay $0x3  }
0x33: {  	p0 =	seq.s32 s10, $0x1;
	s10 =	sld [smem:$0x3F9B];
	_ =	sdelay $0x3  }
0x34: {  	[smem:$0x3F9B] =	sst s10  }
0x35: {  	s10 =	sld [smem:$0x3F9A];
	_ =	sdelay $0x3  }
0x36: {  	p1 =	seq.s32 s10, $0x1;
	s10 =	sld [smem:$0x3F9B];
	_ =	sdelay $0x3  }
0x37: {  	[smem:$0x3F9B] =	sst s10  }
0x38: {  	s10 =	sld [smem:$0x3F9C]  }
0x39: {  	_ = 	snop;
	(pc) =	sbr.ind lr, $3  }
0x3a: {  	_ = 	snop  }
0x3b: {  	_ = 	snop  }
0x3c: {  	p2 =	seq.s32 s10, $0x1;
	s10 =	sld [smem:$0x3F9B]  }
0x3d: {  	_ =	shalt  }
0x3e: {  	_ =	shalt  }
0x3f: {  	_ =	shalt  }
0x40: {  	_ =	shalt  }
0x41: {  	_ =	shalt  }
0x42: {  	_ =	shalt  }
0x43: {  	_ =	shalt  }
0x44: {  	_ =	shalt  }
0x45: {  	_ =	shalt  }
0x46: {  	_ =	shalt  }
0x47: {  	_ =	shalt  }
0x48: {  	_ =	shalt  }
0x49: {  	_ =	shalt  }
0x4a: {  	_ =	shalt  }
0x4b: {  	_ =	shalt  }
0x4c: {  	_ =	shalt  }
0x4d: {  	_ =	shalt  }
0x4e: {  	_ =	shalt  }
0x4f: {  	_ =	shalt  }
0x50: {  	_ =	shalt  }
0x51: {  	_ =	shalt  }
0x52: {  	_ =	shalt  }
0x53: {  	_ =	shalt  }
0x54: {  	_ =	shalt  }
0x55: {  	_ =	shalt  }
0x56: {  	_ =	shalt  }
0x57: {  	_ =	shalt  }
0x58: {  	_ =	shalt  }
0x59: {  	_ =	shalt  }
0x5a: {  	_ =	shalt  }
0x5b: {  	_ =	shalt  }
0x5c: {  	_ =	shalt  }
0x5d: {  	_ =	shalt  }
0x5e: {  	_ =	shalt  }
0x5f: {  	_ =	shalt  }
0x60: {  	_ =	shalt  }
0x61: {  	_ =	shalt  }
0x62: {  	_ =	shalt  }
0x63: {  	_ =	shalt  }
0x64: {  	_ =	shalt  }
0x65: {  	_ =	shalt  }
0x66: {  	_ =	shalt  }
0x67: {  	_ =	shalt  }
0x68: {  	_ =	shalt  }
0x69: {  	_ =	shalt  }
0x6a: {  	_ =	shalt  }
0x6b: {  	_ =	shalt  }
0x6c: {  	_ =	shalt  }
0x6d: {  	_ =	shalt  }
0x6e: {  	_ =	shalt  }
0x6f: {  	_ =	shalt  }
0x70: {  	_ =	shalt  }
0x71: {  	_ =	shalt  }
0x72: {  	_ =	shalt  }
0x73: {  	_ =	shalt  }
0x74: {  	_ =	shalt  }
0x75: {  	_ =	shalt  }
0x76: {  	_ =	shalt  }
0x77: {  	_ =	shalt  }
0x78: {  	_ =	shalt  }
0x79: {  	_ =	shalt  }
0x7a: {  	_ =	shalt  }
0x7b: {  	_ =	shalt  }
0x7c: {  	_ =	shalt  }
0x7d: {  	_ =	shalt  }
0x7e: {  	_ =	shalt  }
0x7f: {  	_ =	shalt  }
0x80: {  	_ =	shalt  }
0x81: {  	_ =	shalt  }
0x82: {  	_ =	shalt  }
0x83: {  	_ =	shalt  }
0x84: {  	_ =	shalt  }
0x85: {  	_ =	shalt  }
0x86: {  	_ =	shalt  }
0x87: {  	_ =	shalt  }
.Lfunc_end0:
.L_simem_size_0:
called_computation.1_lowered:
.L_overlay_start_0:
0x88: {  	s2 =	sld [smem:$0x3FD9]  }
0x89: {  	s3 =	sld [smem:$0x3FFE];
	_ =	sdelay $0x1  }
0x8a: {  	s1 =	srdreg.scid  }
0x8b: {  	s0 =	sand.u32 $0x1, s1  }
0x8c: {  	s16 =	sshll.u32 s0, $0xA;
	s2 =	sadd.s32 s3, s2  }
0x8d: {  	s2 =	sadd.s32 s2, s16  }
0x8e: {  	[smem:$0x3FA7] =	sst s2  }
0x8f: {  	_ = 	snop  }
0x90: {  	(tm) =	ssettm $0x1  }
0x91: {  	s17 =	sld [smem:$0x3FFB];
	_ =	sdelay $0x3  }
0x92: {  	_ =	strace s17  }
0x93: {  	s2 =	sld [smem:$0x3FFC];
	_ =	sdelay $0x3  }
0x94: {  	_ =	strace s2  }
0x95: {  	s2 =	sld [smem:$0x3FFD];
	_ =	sdelay $0x3  }
0x96: {  	_ =	strace s2  }
0x97: {  	_ =	strace $0x8FFFFFFF  }
0x98: {  	s18 =	sld [smem:$0x3FDB];
	_ =	sdelay $0x1  }
0x99: {  	s19 =	simm.s32 $_scs_section_size  }
0x9a: {  	s4 =	simm.s32 $_size__tile_overlayer_lowered;
	s5 =	simm.s32 $_tile_overlayer_lowered  }
0x9b: {  	s22 =	simm.s32 $0x1BFF;
	s21 =	sshll.u32 s5, $0x1;
	s2 =	sadd.s32 s19, s18  }
0x9c: {  	s6 =	simm.s32 $0x0;
	s20 =	sshll.u32 s4, $0x1;
	s4 =	sadd.s32 s21, s2  }
0x9d: {  	[timem:s6], [sflag:s22] =	dma.local [hbm:s4], s20  }
0x9e: {  	_ =	swait.ge [sflag:s22], s20  }
0x9f: {  	s3 =	ssub.s32 $0x0, s20;
	[sflag:s22] =	ssyncset.done $0x0  }
0xa0: {  	[sflag:s22] =	ssyncadd.s32 s3;
	_ =	sdelay $0x1  }
0xa1: {  	s23 =	simm.s32 $0x1B8B  }
0xa2: {  	_ =	swait.ge [sflag:s23], $0x1  }
0xa3: {  	[sflag:s23] =	ssyncset.done $0x0  }
0xa4: {  	s25 =	simm.s32 $0x1B8E;
	s24 =	sld [smem:$0x3FFE];
	[sflag:s23] =	ssyncadd.s32 $0xFFFFFFFF  }
0xa5: {  	s26 =	simm.s32 $execute0_lowered;
	[smem:$0x3FD2] =	sst s25  }
0xa6: {  	s4 =	sshll.u32 s26, $0x1;
	_ =	strace $0x80000049;
	[dreg:$0x1] =	wrdreg $0xFFFFFFFF  }
0xa7: {  	s28 =	simm.s32 $_size_execute0_lowered;
	s2 =	sadd.s32 s2, s4;
	[dreg:$0x0] =	wrdreg $0x0  }
0xa8: {  	s4 =	sshll.u32 s28, $0x1;
	[dreg:$0x2] =	wrdreg s2  }
0xa9: {  	[dreg:$0x3] =	wrdreg s4  }
0xaa: {  	[dreg:$0x4] =	wrdreg $0xC0  }
0xab: {  	_ =	task [dreg:s6], $0x5FFFF  }
0xac: {  	[dreg:$0x1] =	wrdreg $0xFFFFFFFF  }
0xad: {  	[dreg:$0x0] =	wrdreg $0x60  }
0xae: {  	[dreg:$0x2] =	wrdreg s24  }
0xaf: {  	[dreg:$0x3] =	wrdreg $0xB0000  }
0xb0: {  	[dreg:$0x4] =	wrdreg $0x9  }
0xb1: {  	_ =	task.clear_ibuf [dreg:s6], $0x5FFFF;
	_ =	strace $0x90000049  }
0xb2: {  	s29 =	simm.s32 $0x9;
	_ =	strace $0x8000004B  }
0xb3: {  	_ =	swait.ge [sflag:s29], $0x1  }
0xb4: {  	[sflag:s29] =	ssyncadd.s32 $0xFFFFFFFF  }
0xb5: {  	_ =	strace $0x9000004B  }
0xb6: {  	_ =	sfence  }
0xb7: {  	s30 =	sld [smem:$0x0];
	_ =	sdelay $0x2  }
0xb8: {  	s31 =	sshll.u32 s1, $0xD;
	s1 =	sshrl.u32 s1, $0x2  }
0xb9: {  	s3 =	sand.u32 $0x4000, s31;
	s1 =	sadd.s32 s1, s30  }
0xba: {  	s0 =	sor.u32 s3, s0;
	s1 =	sshll.u32 s1, $0x11  }
0xbb: {  	s0 =	sor.u32 s1, s0  }
0xbc: {  	s0 =	sadd.s32 $0x8F2B, s0  }
0xbd: {  	[sflag:s0] =	ssyncadd.remote.s32 $0x1  }
0xbe: {  	_ =	sfence.sel $0xFFFF  }
0xbf: {  	[dreg:$0x0] =	wrdreg $0xFFFFFFFF;
	(pc) =	sbr.abs _section_cstart, $3  }
0xc0: {  	[dreg:$0x1] =	wrdreg $0xFFFFFFFF  }
0xc1: {  	_ =	task.clear_ibuf [dreg:s6], $0x2FFFF;
	_ =	strace $0x9FFFFFFF  }
0xc2: {  	(tm) =	ssettm $0x7FFFFFFF  }
0xc3: {  	_ =	shalt  }
tec
execute0_lowered:
.L_overlay_start_1:
0x0: {  	(tag) =	ssettag $0x1  }
0x1: {  	s5 =	rddreg [dreg:$0x0]  }
0x2: {  	s1 =	rddreg [dreg:$0x1]  }
0x3: {  	s0 =	rddreg [dreg:$0x2];
	s3 =	simm.s32 $0x0;
	s2 =	srdreg.scid  }
0x4: {  	s12 =	simm.s32 $0x4000;
	s13 =	simm.s32 $0x50;
	s14 =	simm.s32 $0x8000  }
0x5: {  	s15 =	simm.s32 $0x1;
	[smem:$0x7FF] =	sst s3;
	s6 =	sand.u32 $0x1, s2  }
0x6: {  	s2 =	stileid.u32;
	s4 =	sadd.s32 $0x25600, s5;
	s7 =	smul.u32 $0x140000, s6  }
0x7: {  	_ =	strace $0x8000004A;
	s8 =	smul.u32 $0x14000, s2;
	s9 =	sshll.u32 s6, $0xF  }
0x8: {  	s10 =	sshll.u32 s2, $0xB;
	s28 =	smul.u32 $0x50000, s2;
	s6 =	ssub.s32 $0x2, s6  }
0x9: {  	s16 =	sshll.u32 s2, $0x6;
	s9 =	sor.u32 s10, s9;
	s30 =	sshrl.u32 s6, $0x1  }
0xa: {  	s10 =	simm.s32 $0xA800;
	s16 =	sor.u32 $0x1C02, s16;
	s7 =	sadd.s32 s8, s7  }
0xb: {  	s9 =	sadd.s32 s9, s5;
	s31 =	sshrl.u32 s28, $0x2;
	s7 =	sshrl.u32 s7, $0x3  }
0xc: {  	s11 =	ssub.s32 s6, s30;
	s6 =	sadd.s32 $0x5600, s9;
	s29 =	sadd.s32 s7, s5  }
0xd: {  	s5 =	sadd.s32 s31, s1;
	s7 =	sadd.s32 $0x15600, s9;
	s9 =	smax.u32 s11, $0x1  }
0xe: {  	v0 =	vimm.f32 $0.0e+00;
	s11 =	simm.s32 $0x2;
	s8 =	sadd.s32 $0x4C800, s29;
	s17 =	sshrl.u32 s5, $0x3  }
.LBB2_1:
0xf: {  	s18 =	simm.s32 $0x0;
	s19 =	simm.s32 $0x200  }
.LBB2_2:
0x10: {  	p0 =	sne.s32 s19, $0x1E00;
	[tilespmem:s18+$0xA870] =	vst v0  }
0x11: {  	[tilespmem:s18+$0xA800] =	vst v0  }
0x12: {  	[tilespmem:s18+$0xA810] =	vst v0  }
.Ltmp0:
0x13: {  	[tilespmem:s18+$0xA820] =	vst v0;
	(pc) =	sbr.rel @p0 .LBB2_2-.Ltmp0, $4  }
0x14: {  	[tilespmem:s18+$0xA830] =	vst v0  }
0x15: {  	[tilespmem:s18+$0xA840] =	vst v0  }
0x16: {  	[tilespmem:s18+$0xA850] =	vst v0  }
0x17: {  	[tilespmem:s18+$0xA860] =	vst v0;
	s18 =	sshra.s32 s19, $0x2;
	s19 =	sadd.s32 $0x200, s19  }
0x18: {  	[tilespmem:s18+$0xA870] =	vst v0  }
0x19: {  	[tilespmem:s18+$0xA800] =	vst v0  }
0x1a: {  	[tilespmem:s18+$0xA810] =	vst v0  }
0x1b: {  	[tilespmem:s18+$0xA820] =	vst v0  }
0x1c: {  	[tilespmem:s18+$0xA830] =	vst v0  }
0x1d: {  	[tilespmem:s18+$0xA840] =	vst v0  }
0x1e: {  	[tilespmem:s18+$0xA850] =	vst v0  }
0x1f: {  	[tilespmem:s18+$0xA860] =	vst v0;
	s31 =	sadd.s32 $0x0, s5  }
0x20: {  	[spmem:s31] =	stream.linear.scatter [tilespmem:s10], [sflag:$0x2], $0x800, $0x38;
	[tilespmem:$0x1F000] =	vst v63  }
0x21: {  	s18 =	simm.s32 $0x2000;
	_ =	swait.ge [sflag:s11], $0x800  }
.LBB2_4:
0x22: {  	s19 =	sshra.s32 s18, $0x2;
	[sflag:s11] =	ssyncset.done $0x0;
	p0 =	sne.s32 s18, $0x4E000  }
.Ltmp1:
0x23: {  	s19 =	sadd.s32 s19, s5;
	[sflag:s11] =	ssyncadd.s32 $0xFFFFF800;
	(pc) =	sbr.rel @p0 .LBB2_4-.Ltmp1, $3  }
0x24: {  	[spmem:s19] =	stream.linear.scatter [tilespmem:s10], [sflag:$0x2], $0x800, $0x38;
	[tilespmem:$0x1F000] =	vst v63  }
0x25: {  	s18 =	sadd.s32 $0x2000, s18;
	_ =	sdelay $0x1  }
0x26: {  	_ =	swait.ge [sflag:s11], $0x800  }
0x27: {  	[sflag:s11] =	ssyncset.done $0x0  }
0x28: {  	s18 =	simm.s32 $0x0;
	[sflag:s11] =	ssyncadd.s32 $0xFFFFF800  }
0x29: {  	[tilespmem:s18], [sflag:$0x2] =	stream.linear.gather [hbm4b:s6+s18], $0x3E80, $0x38;
	[tilespmem:$0x1F000] =	vst v63  }
0x2a: {  	_ =	swait.ge [sflag:s11], $0x3E80  }
0x2b: {  	[sflag:s11] =	ssyncset.done $0x0  }
0x2c: {  	[sflag:s11] =	ssyncadd.s32 $0xFFFFC180  }
0x2d: {  	[tilespmem:s12], [sflag:$0x2] =	stream.linear.gather [hbm4b:s7+s18], $0x3E80, $0x38;
	[tilespmem:$0x1F000] =	vst v63  }
0x2e: {  	_ =	swait.ge [sflag:s11], $0x3E80  }
0x2f: {  	[sflag:s11] =	ssyncset.done $0x0  }
0x30: {  	[sflag:s11] =	ssyncadd.s32 $0xFFFFC180  }
0x31: {  	s30 =	simm.s32 $0x0;
	[bflag:$0x0] =	sbarrier.arrive $0xFFFF  }
0x32: {  	[tilespmem:s14], [sflag:$0x1] =	stream.indirect.gather [hbm4b:s4+s13], $0x80, s30, s13, $0xb8;
	[tilespmem:$0x1F000] =	vst v63  }
0x33: {  	_ =	swait.ge [sflag:s15], $0x2800  }
0x34: {  	[sflag:s15] =	ssyncset.done $0x0  }
0x35: {  	s31 =	simm.s32 $0x4000;
	[sflag:s15] =	ssyncadd.s32 $0xFFFFD800  }
0x36: {  	[spmem:s1] =	stream.indirect.scatter.add.f32 [tilespmem:s14], [sflag:$0x2], $0x80, s31, s13, $0xb8;
	[tilespmem:$0x1F000] =	vst v63  }
0x37: {  	_ =	swait.ge [sflag:s11], $0x2800  }
0x38: {  	s19 =	simm.s32 $0x400;
	s18 =	simm.s32 $0x200;
	[sflag:s11] =	ssyncset.done $0x0  }
.LBB2_6:
0x39: {  	s20 =	sshra.s32 s18, $0x2  }
0x3a: {  	[sflag:s11] =	ssyncadd.s32 $0xFFFFD800;
	s18 =	smov.u32 s19;
	s21 =	sadd.s32 $0x200, s19  }
0x3b: {  	[tilespmem:s14], [sflag:$0x1] =	stream.indirect.gather [hbm4b:s4+s13], $0x80, s20, s13, $0xb8;
	[tilespmem:$0x1F000] =	vst v63  }
0x3c: {  	p0 =	sne.s32 s19, $0xF800;
	_ =	swait.ge [sflag:s15], $0x2800  }
.Ltmp2:
0x3d: {  	[sflag:s15] =	ssyncset.done $0x0;
	(pc) =	sbr.rel @p0 .LBB2_6-.Ltmp2, $4  }
0x3e: {  	s19 =	sadd.s32 $0x4000, s20;
	[sflag:s15] =	ssyncadd.s32 $0xFFFFD800  }
0x3f: {  	[spmem:s1] =	stream.indirect.scatter.add.f32 [tilespmem:s14], [sflag:$0x2], $0x80, s19, s13, $0xb8;
	[tilespmem:$0x1F000] =	vst v63  }
0x40: {  	_ =	swait.ge [sflag:s11], $0x2800  }
0x41: {  	s19 =	smov.u32 s21;
	[sflag:s11] =	ssyncset.done $0x0  }
0x42: {  	s18 =	sshra.s32 s18, $0x2;
	[sflag:s11] =	ssyncadd.s32 $0xFFFFD800  }
0x43: {  	[tilespmem:s14], [sflag:$0x1] =	stream.indirect.gather [hbm4b:s4+s13], $0x80, s18, s13, $0xb8;
	[tilespmem:$0x1F000] =	vst v63  }
0x44: {  	_ =	swait.ge [sflag:s15], $0x2800  }
0x45: {  	[sflag:s15] =	ssyncset.done $0x0  }
0x46: {  	s18 =	sadd.s32 $0x4000, s18;
	[sflag:s15] =	ssyncadd.s32 $0xFFFFD800  }
0x47: {  	[spmem:s1] =	stream.indirect.scatter.add.f32 [tilespmem:s14], [sflag:$0x2], $0x80, s18, s13, $0xb8;
	[tilespmem:$0x1F000] =	vst v63  }
0x48: {  	_ =	swait.ge [sflag:s11], $0x2800  }
0x49: {  	s3 =	sadd.s32 $0x1, s3;
	[sflag:s11] =	ssyncset.done $0x0  }
0x4a: {  	p0 =	sne.s32 s3, s9;
	[sflag:s11] =	ssyncadd.s32 $0xFFFFD800  }
.Ltmp3:
0x4b: {  	[bflag:$0x0] =	sbarrier.arrive $0xFFFF;
	(pc) =	sbr.rel @p0 .LBB2_1-.Ltmp3, $4  }
0x4c: {  	[hbm:s8], [sflag:s16] =	dma.local [spmem:s17], $0x2800  }
0x4d: {  	_ =	swait.ge [sflag:s11], $0x2800  }
0x4e: {  	[sflag:s11] =	ssyncset.done $0x0  }
0x4f: {  	[sflag:s11] =	ssyncadd.s32 $0xFFFFD800  }
0x50: {  	_ =	sfence.sel $0x180000  }
0x51: {  	[bflag:$0x0] =	sbarrier.arrive $0xFFFF  }
0x52: {  	p0 =	sne.s32 s2, $0x0;
	_ =	strace $0x9000004A  }
0x53: {  	s0 =	sadd.s32 @!p0 $0x100000, s0;
	[bflag:$0x2] =	sbarrier.arrive $0xFFFF  }
0x54: {  	[sflag:s0] =	ssyncadd.tile.s32 @!p0 $0x1;
	_ =	shalt  }
.Lfunc_end2:
_tile_overlayer_lowered:
.L_overlay_start_2:
0x55: {  	(tag) =	ssettag $0x2  }
0x56: {  	s0 =	rddreg [dreg:$0x0];
	s2 =	stileid.u32  }
0x57: {  	s1 =	rddreg [dreg:$0x1];
	p0 =	sne.s32 s2, $0x0  }
0x58: {  	s3 =	rddreg [dreg:$0x2];
	[bflag:$0x3] =	sbarrier.arrive $0xFFFF;
	s2 =	simm.s32 @!p0 $0x1C02  }
0x59: {  	[timem:s3], [sflag:s2] =	dma.local @!p0 [hbm:s0], s1  }
0x5a: {  	s0 =	simm.s32 @!p0 $0x2  }
0x5b: {  	_ =	swait.ge @!p0 [sflag:s0], s1  }
0x5c: {  	s1 =	ssub.s32 @!p0 $0x0, s1;
	[sflag:s0] =	ssyncset.done @!p0 $0x0  }
0x5d: {  	[sflag:s0] =	ssyncadd.s32 @!p0 s1  }
0x5e: {  	[bflag:$0x3] =	sbarrier.arrive $0xFFFF  }
0x5f: {  	_ =	shalt  }

// kernel: kernel.15.cloned.1.call-start
scs
__scs_entry_jumppad:
0x0: {  	(pc) =	sbr.rel $0x88, $3  }
0x1: {  	(tag) =	ssettag $0x0;
	lr =	simm.s32 $0x1  }
0x2: {  	[smem:$0x3F80] =	sst lr;
	_ =	strace $0xD0000000  }
0x3: {  	_ = 	snop  }
0x4: {  	_ = 	snop  }
0x5: {  	_ = 	snop  }
0x6: {  	_ = 	snop  }
0x7: {  	_ = 	snop  }
__scs_overlays_trampoline_lowered:
0x8: {  	[smem:$0x3F8F] =	sst s0  }
0x9: {  	[smem:$0x3F90] =	sst s1  }
0xa: {  	[smem:$0x3F91] =	sst s2  }
0xb: {  	[smem:$0x3F92] =	sst s3  }
0xc: {  	[smem:$0x3F93] =	sst s4  }
0xd: {  	[smem:$0x3F94] =	sst s5  }
0xe: {  	[smem:$0x3F95] =	sst s6  }
0xf: {  	[smem:$0x3F96] =	sst s7  }
0x10: {  	[smem:$0x3F97] =	sst s8  }
0x11: {  	[smem:$0x3F98] =	sst s9;
	s0 =	simm.s32 @!p0 $0x0  }
0x12: {  	s1 =	sld [smem:$0x3F7E];
	s0 =	simm.s32 @p0 $0x1  }
0x13: {  	[smem:$0x3F99] =	sst s0;
	s0 =	simm.s32 @!p1 $0x0  }
0x14: {  	s2 =	sld [smem:$0x3F7D];
	s0 =	simm.s32 @p1 $0x1  }
0x15: {  	[smem:$0x3F9A] =	sst s0;
	s0 =	simm.s32 @!p2 $0x0  }
0x16: {  	s3 =	sld [smem:$0x3FDB];
	s0 =	simm.s32 @p2 $0x1  }
0x17: {  	s4 =	simm.s32 $0x1BF5;
	[smem:$0x3F9C] =	sst s0  }
0x18: {  	s0 =	sld [smem:$0x3F7F];
	_ =	swait.ge [sflag:s4], $0x0  }
0x19: {  	s7 =	sld [smem:$0x3F80]  }
0x1a: {  	s8 =	sadd.s32 $0xFFFFE003, lr  }
0x1b: {  	s9 =	sadd.s32 $0xFFFFFEF7, lr;
	s5 =	simm.s32 $0xFFFFFFFF;
	p2 =	slt.u32 s8, $0xFFFFF086  }
0x1c: {  	p1 =	slt.u32 s9, $0xF7A;
	s5 =	simm.s32 @!p2 $0x0  }
0x1d: {  	s5 =	simm.s32 @p1 $0x1;
	p0 =	seq.s32 s7, s2  }
0x1e: {  	s7 =	smul.u32 @!p0 $0xF7A, s2;
	p2 =	seq.s32 @!p0 s5, $0x0  }
0x1f: {  	s9 =	smul.u32 $0xF7A, s1;
	s8 =	simm.s32 @!p0 $0x1BF5;
	p2 =	por !p2, p0  }
0x20: {  	[sflag:s8] =	ssyncset.s32 @!p0 $0xFFFFF086;
	s6 =	sadd.s32 @!p0 s3, s7;
	s7 =	simm.s32 @!p0 $0x108  }
0x21: {  	s3 =	sadd.s32 s3, s9;
	s6 =	sadd.s32 @!p0 $0x88, s6;
	s7 =	simm.s32 @p2 $0x1082  }
0x22: {  	[simem:s7], [sflag:s8] =	dma.local @!p0 [hbm:s6], $0xF7A  }
0x23: {  	s9 =	sor.u32 $0xD0000000, s2;
	s6 =	simm.s32 $0x108;
	_ =	swait.ge @!p0 [sflag:s8], $0x0  }
0x24: {  	s3 =	sadd.s32 $0x88, s3;
	s6 =	simm.s32 @!p1 $0x1082;
	[sflag:s4] =	ssyncset.s32 $0xFFFFF086  }
0x25: {  	[simem:s6], [sflag:s4] =	dma.local [hbm:s3], $0xF7A  }
0x26: {  	[smem:$0x3F80] =	sst s1;
	(tag) =	ssettag s2;
	_ =	strace s9  }
0x27: {  	s1 =	sld [smem:$0x3F90]  }
0x28: {  	s2 =	sld [smem:$0x3F91]  }
0x29: {  	s4 =	sld [smem:$0x3F93]  }
0x2a: {  	p0 =	seq.s32 s5, $0x0;
	s5 =	sld [smem:$0x3F94]  }
0x2b: {  	s6 =	sld [smem:$0x3F95]  }
0x2c: {  	s7 =	sld [smem:$0x3F96]  }
0x2d: {  	s3 =	simm.s32 $0x108;
	s8 =	sld [smem:$0x3F97]  }
0x2e: {  	s3 =	simm.s32 @!p0 $0x1082;
	s9 =	sld [smem:$0x3F98]  }
0x2f: {  	lr =	sadd.s32 s0, s3;
	s0 =	sld [smem:$0x3F8F]  }
0x30: {  	s3 =	sld [smem:$0x3F92]  }
0x31: {  	[smem:$0x3F9B] =	sst s10  }
0x32: {  	s10 =	sld [smem:$0x3F99];
	_ =	sdelay $0x3  }
0x33: {  	p0 =	seq.s32 s10, $0x1;
	s10 =	sld [smem:$0x3F9B];
	_ =	sdelay $0x3  }
0x34: {  	[smem:$0x3F9B] =	sst s10  }
0x35: {  	s10 =	sld [smem:$0x3F9A];
	_ =	sdelay $0x3  }
0x36: {  	p1 =	seq.s32 s10, $0x1;
	s10 =	sld [smem:$0x3F9B];
	_ =	sdelay $0x3  }
0x37: {  	[smem:$0x3F9B] =	sst s10  }
0x38: {  	s10 =	sld [smem:$0x3F9C]  }
0x39: {  	_ = 	snop;
	(pc) =	sbr.ind lr, $3  }
0x3a: {  	_ = 	snop  }
0x3b: {  	_ = 	snop  }
0x3c: {  	p2 =	seq.s32 s10, $0x1;
	s10 =	sld [smem:$0x3F9B]  }
0x3d: {  	_ =	shalt  }
0x3e: {  	_ =	shalt  }
0x3f: {  	_ =	shalt  }
0x40: {  	_ =	shalt  }
0x41: {  	_ =	shalt  }
0x42: {  	_ =	shalt  }
0x43: {  	_ =	shalt  }
0x44: {  	_ =	shalt  }
0x45: {  	_ =	shalt  }
0x46: {  	_ =	shalt  }
0x47: {  	_ =	shalt  }
0x48: {  	_ =	shalt  }
0x49: {  	_ =	shalt  }
0x4a: {  	_ =	shalt  }
0x4b: {  	_ =	shalt  }
0x4c: {  	_ =	shalt  }
0x4d: {  	_ =	shalt  }
0x4e: {  	_ =	shalt  }
0x4f: {  	_ =	shalt  }
0x50: {  	_ =	shalt  }
0x51: {  	_ =	shalt  }
0x52: {  	_ =	shalt  }
0x53: {  	_ =	shalt  }
0x54: {  	_ =	shalt  }
0x55: {  	_ =	shalt  }
0x56: {  	_ =	shalt  }
0x57: {  	_ =	shalt  }
0x58: {  	_ =	shalt  }
0x59: {  	_ =	shalt  }
0x5a: {  	_ =	shalt  }
0x5b: {  	_ =	shalt  }
0x5c: {  	_ =	shalt  }
0x5d: {  	_ =	shalt  }
0x5e: {  	_ =	shalt  }
0x5f: {  	_ =	shalt  }
0x60: {  	_ =	shalt  }
0x61: {  	_ =	shalt  }
0x62: {  	_ =	shalt  }
0x63: {  	_ =	shalt  }
0x64: {  	_ =	shalt  }
0x65: {  	_ =	shalt  }
0x66: {  	_ =	shalt  }
0x67: {  	_ =	shalt  }
0x68: {  	_ =	shalt  }
0x69: {  	_ =	shalt  }
0x6a: {  	_ =	shalt  }
0x6b: {  	_ =	shalt  }
0x6c: {  	_ =	shalt  }
0x6d: {  	_ =	shalt  }
0x6e: {  	_ =	shalt  }
0x6f: {  	_ =	shalt  }
0x70: {  	_ =	shalt  }
0x71: {  	_ =	shalt  }
0x72: {  	_ =	shalt  }
0x73: {  	_ =	shalt  }
0x74: {  	_ =	shalt  }
0x75: {  	_ =	shalt  }
0x76: {  	_ =	shalt  }
0x77: {  	_ =	shalt  }
0x78: {  	_ =	shalt  }
0x79: {  	_ =	shalt  }
0x7a: {  	_ =	shalt  }
0x7b: {  	_ =	shalt  }
0x7c: {  	_ =	shalt  }
0x7d: {  	_ =	shalt  }
0x7e: {  	_ =	shalt  }
0x7f: {  	_ =	shalt  }
0x80: {  	_ =	shalt  }
0x81: {  	_ =	shalt  }
0x82: {  	_ =	shalt  }
0x83: {  	_ =	shalt  }
0x84: {  	_ =	shalt  }
0x85: {  	_ =	shalt  }
0x86: {  	_ =	shalt  }
0x87: {  	_ =	shalt  }
.Lfunc_end0:
.L_simem_size_0:
called_computation.2_lowered:
.L_overlay_start_0:
0x88: {  	s2 =	sld [smem:$0x3FD9]  }
0x89: {  	s3 =	sld [smem:$0x3FFE];
	_ =	sdelay $0x1  }
0x8a: {  	s1 =	srdreg.scid  }
0x8b: {  	s0 =	sand.u32 $0x1, s1  }
0x8c: {  	s16 =	sshll.u32 s0, $0xA;
	s2 =	sadd.s32 s3, s2  }
0x8d: {  	s2 =	sadd.s32 s2, s16  }
0x8e: {  	[smem:$0x3FA7] =	sst s2  }
0x8f: {  	_ = 	snop  }
0x90: {  	(tm) =	ssettm $0x1  }
0x91: {  	s17 =	sld [smem:$0x3FFB];
	_ =	sdelay $0x3  }
0x92: {  	_ =	strace s17  }
0x93: {  	s2 =	sld [smem:$0x3FFC];
	_ =	sdelay $0x3  }
0x94: {  	_ =	strace s2  }
0x95: {  	s2 =	sld [smem:$0x3FFD];
	_ =	sdelay $0x3  }
0x96: {  	_ =	strace s2  }
0x97: {  	_ =	strace $0x8FFFFFFF  }
0x98: {  	s18 =	sld [smem:$0x3FDB];
	_ =	sdelay $0x1  }
0x99: {  	s19 =	simm.s32 $_scs_section_size  }
0x9a: {  	s4 =	simm.s32 $_size__tile_overlayer_lowered;
	s5 =	simm.s32 $_tile_overlayer_lowered  }
0x9b: {  	s22 =	simm.s32 $0x1BFF;
	s21 =	sshll.u32 s5, $0x1;
	s2 =	sadd.s32 s19, s18  }
0x9c: {  	s6 =	simm.s32 $0x0;
	s20 =	sshll.u32 s4, $0x1;
	s4 =	sadd.s32 s21, s2  }
0x9d: {  	[timem:s6], [sflag:s22] =	dma.local [hbm:s4], s20  }
0x9e: {  	_ =	swait.ge [sflag:s22], s20  }
0x9f: {  	s3 =	ssub.s32 $0x0, s20;
	[sflag:s22] =	ssyncset.done $0x0  }
0xa0: {  	[sflag:s22] =	ssyncadd.s32 s3;
	_ =	sdelay $0x1  }
0xa1: {  	s23 =	simm.s32 $0x1B8B  }
0xa2: {  	_ =	swait.ge [sflag:s23], $0x1  }
0xa3: {  	[sflag:s23] =	ssyncset.done $0x0  }
0xa4: {  	s25 =	simm.s32 $0x1B8E;
	s24 =	sld [smem:$0x3FFE];
	[sflag:s23] =	ssyncadd.s32 $0xFFFFFFFF  }
0xa5: {  	s26 =	simm.s32 $execute0_lowered;
	[smem:$0x3FD2] =	sst s25  }
0xa6: {  	s4 =	sshll.u32 s26, $0x1;
	_ =	strace $0x8000004C;
	[dreg:$0x1] =	wrdreg $0xFFFFFFFF  }
0xa7: {  	s28 =	simm.s32 $_size_execute0_lowered;
	s2 =	sadd.s32 s2, s4;
	[dreg:$0x0] =	wrdreg $0x0  }
0xa8: {  	s4 =	sshll.u32 s28, $0x1;
	[dreg:$0x2] =	wrdreg s2  }
0xa9: {  	[dreg:$0x3] =	wrdreg s4  }
0xaa: {  	[dreg:$0x4] =	wrdreg $0xC0  }
0xab: {  	_ =	task [dreg:s6], $0x5FFFF  }
0xac: {  	[dreg:$0x1] =	wrdreg $0xFFFFFFFF  }
0xad: {  	[dreg:$0x0] =	wrdreg $0x60  }
0xae: {  	[dreg:$0x2] =	wrdreg s24  }
0xaf: {  	[dreg:$0x3] =	wrdreg $0xB0000  }
0xb0: {  	[dreg:$0x4] =	wrdreg $0x9  }
0xb1: {  	_ =	task.clear_ibuf [dreg:s6], $0x5FFFF;
	_ =	strace $0x9000004C  }
0xb2: {  	s29 =	simm.s32 $0x9;
	_ =	strace $0x8000004E  }
0xb3: {  	_ =	swait.ge [sflag:s29], $0x1  }
0xb4: {  	[sflag:s29] =	ssyncadd.s32 $0xFFFFFFFF  }
0xb5: {  	_ =	strace $0x9000004E  }
0xb6: {  	_ =	sfence  }
0xb7: {  	s30 =	sld [smem:$0x0];
	_ =	sdelay $0x2  }
0xb8: {  	s31 =	sshll.u32 s1, $0xD;
	s1 =	sshrl.u32 s1, $0x2  }
0xb9: {  	s3 =	sand.u32 $0x4000, s31;
	s1 =	sadd.s32 s1, s30  }
0xba: {  	s0 =	sor.u32 s3, s0;
	s1 =	sshll.u32 s1, $0x11  }
0xbb: {  	s0 =	sor.u32 s1, s0  }
0xbc: {  	s0 =	sadd.s32 $0x8F2B, s0  }
0xbd: {  	[sflag:s0] =	ssyncadd.remote.s32 $0x1  }
0xbe: {  	_ =	sfence.sel $0xFFFF  }
0xbf: {  	[dreg:$0x0] =	wrdreg $0xFFFFFFFF;
	(pc) =	sbr.abs _section_cstart, $3  }
0xc0: {  	[dreg:$0x1] =	wrdreg $0xFFFFFFFF  }
0xc1: {  	_ =	task.clear_ibuf [dreg:s6], $0x2FFFF;
	_ =	strace $0x9FFFFFFF  }
0xc2: {  	(tm) =	ssettm $0x7FFFFFFF  }
0xc3: {  	_ =	shalt  }
tec
execute0_lowered:
.L_overlay_start_1:
0x0: {  	(tag) =	ssettag $0x1  }
0x1: {  	s5 =	rddreg [dreg:$0x0]  }
0x2: {  	s1 =	rddreg [dreg:$0x1]  }
0x3: {  	s0 =	rddreg [dreg:$0x2];
	s3 =	simm.s32 $0x0;
	s2 =	srdreg.scid  }
0x4: {  	s12 =	simm.s32 $0x4000;
	s13 =	simm.s32 $0x50;
	s14 =	simm.s32 $0x8000  }
0x5: {  	s15 =	simm.s32 $0x1;
	[smem:$0x7FF] =	sst s3;
	s6 =	sand.u32 $0x1, s2  }
0x6: {  	s2 =	stileid.u32;
	s4 =	sadd.s32 $0x25600, s5;
	s7 =	smul.u32 $0x140000, s6  }
0x7: {  	_ =	strace $0x8000004D;
	s8 =	smul.u32 $0x14000, s2;
	s9 =	sshll.u32 s6, $0xF  }
0x8: {  	s10 =	sshll.u32 s2, $0xB;
	s28 =	smul.u32 $0x50000, s2;
	s6 =	ssub.s32 $0x2, s6  }
0x9: {  	s16 =	sshll.u32 s2, $0x6;
	s9 =	sor.u32 s10, s9;
	s30 =	sshrl.u32 s6, $0x1  }
0xa: {  	s10 =	simm.s32 $0xA800;
	s16 =	sor.u32 $0x1C02, s16;
	s7 =	sadd.s32 s8, s7  }
0xb: {  	s9 =	sadd.s32 s9, s5;
	s31 =	sshrl.u32 s28, $0x2;
	s7 =	sshrl.u32 s7, $0x3  }
0xc: {  	s11 =	ssub.s32 s6, s30;
	s6 =	sadd.s32 $0x5600, s9;
	s29 =	sadd.s32 s7, s5  }
0xd: {  	s5 =	sadd.s32 s31, s1;
	s7 =	sadd.s32 $0x15600, s9;
	s9 =	smax.u32 s11, $0x1  }
0xe: {  	v0 =	vimm.f32 $0.0e+00;
	s11 =	simm.s32 $0x2;
	s8 =	sadd.s32 $0x4C800, s29;
	s17 =	sshrl.u32 s5, $0x3  }
.LBB2_1:
0xf: {  	s18 =	simm.s32 $0x0;
	s19 =	simm.s32 $0x200  }
.LBB2_2:
0x10: {  	p0 =	sne.s32 s19, $0x1E00;
	[tilespmem:s18+$0xA870] =	vst v0  }
0x11: {  	[tilespmem:s18+$0xA800] =	vst v0  }
0x12: {  	[tilespmem:s18+$0xA810] =	vst v0  }
.Ltmp0:
0x13: {  	[tilespmem:s18+$0xA820] =	vst v0;
	(pc) =	sbr.rel @p0 .LBB2_2-.Ltmp0, $4  }
0x14: {  	[tilespmem:s18+$0xA830] =	vst v0  }
0x15: {  	[tilespmem:s18+$0xA840] =	vst v0  }
0x16: {  	[tilespmem:s18+$0xA850] =	vst v0  }
0x17: {  	[tilespmem:s18+$0xA860] =	vst v0;
	s18 =	sshra.s32 s19, $0x2;
	s19 =	sadd.s32 $0x200, s19  }
0x18: {  	[tilespmem:s18+$0xA870] =	vst v0  }
0x19: {  	[tilespmem:s18+$0xA800] =	vst v0  }
0x1a: {  	[tilespmem:s18+$0xA810] =	vst v0  }
0x1b: {  	[tilespmem:s18+$0xA820] =	vst v0  }
0x1c: {  	[tilespmem:s18+$0xA830] =	vst v0  }
0x1d: {  	[tilespmem:s18+$0xA840] =	vst v0  }
0x1e: {  	[tilespmem:s18+$0xA850] =	vst v0  }
0x1f: {  	[tilespmem:s18+$0xA860] =	vst v0;
	s31 =	sadd.s32 $0x0, s5  }
0x20: {  	[spmem:s31] =	stream.linear.scatter [tilespmem:s10], [sflag:$0x2], $0x800, $0x38;
	[tilespmem:$0x1F000] =	vst v63  }
0x21: {  	s18 =	simm.s32 $0x2000;
	_ =	swait.ge [sflag:s11], $0x800  }
.LBB2_4:
0x22: {  	s19 =	sshra.s32 s18, $0x2;
	[sflag:s11] =	ssyncset.done $0x0;
	p0 =	sne.s32 s18, $0x4E000  }
.Ltmp1:
0x23: {  	s19 =	sadd.s32 s19, s5;
	[sflag:s11] =	ssyncadd.s32 $0xFFFFF800;
	(pc) =	sbr.rel @p0 .LBB2_4-.Ltmp1, $3  }
0x24: {  	[spmem:s19] =	stream.linear.scatter [tilespmem:s10], [sflag:$0x2], $0x800, $0x38;
	[tilespmem:$0x1F000] =	vst v63  }
0x25: {  	s18 =	sadd.s32 $0x2000, s18;
	_ =	sdelay $0x1  }
0x26: {  	_ =	swait.ge [sflag:s11], $0x800  }
0x27: {  	[sflag:s11] =	ssyncset.done $0x0  }
0x28: {  	s18 =	simm.s32 $0x0;
	[sflag:s11] =	ssyncadd.s32 $0xFFFFF800  }
0x29: {  	[tilespmem:s18], [sflag:$0x2] =	stream.linear.gather [hbm4b:s6+s18], $0x3E80, $0x38;
	[tilespmem:$0x1F000] =	vst v63  }
0x2a: {  	_ =	swait.ge [sflag:s11], $0x3E80  }
0x2b: {  	[sflag:s11] =	ssyncset.done $0x0  }
0x2c: {  	[sflag:s11] =	ssyncadd.s32 $0xFFFFC180  }
0x2d: {  	[tilespmem:s12], [sflag:$0x2] =	stream.linear.gather [hbm4b:s7+s18], $0x3E80, $0x38;
	[tilespmem:$0x1F000] =	vst v63  }
0x2e: {  	_ =	swait.ge [sflag:s11], $0x3E80  }
0x2f: {  	[sflag:s11] =	ssyncset.done $0x0  }
0x30: {  	[sflag:s11] =	ssyncadd.s32 $0xFFFFC180  }
0x31: {  	s30 =	simm.s32 $0x0;
	[bflag:$0x0] =	sbarrier.arrive $0xFFFF  }
0x32: {  	[tilespmem:s14], [sflag:$0x1] =	stream.indirect.gather [hbm4b:s4+s13], $0x80, s30, s13, $0xb8;
	[tilespmem:$0x1F000] =	vst v63  }
0x33: {  	_ =	swait.ge [sflag:s15], $0x2800  }
0x34: {  	[sflag:s15] =	ssyncset.done $0x0  }
0x35: {  	s31 =	simm.s32 $0x4000;
	[sflag:s15] =	ssyncadd.s32 $0xFFFFD800  }
0x36: {  	[spmem:s1] =	stream.indirect.scatter.add.f32 [tilespmem:s14], [sflag:$0x2], $0x80, s31, s13, $0xb8;
	[tilespmem:$0x1F000] =	vst v63  }
0x37: {  	_ =	swait.ge [sflag:s11], $0x2800  }
0x38: {  	s19 =	simm.s32 $0x400;
	s18 =	simm.s32 $0x200;
	[sflag:s11] =	ssyncset.done $0x0  }
.LBB2_6:
0x39: {  	s20 =	sshra.s32 s18, $0x2  }
0x3a: {  	[sflag:s11] =	ssyncadd.s32 $0xFFFFD800;
	s18 =	smov.u32 s19;
	s21 =	sadd.s32 $0x200, s19  }
0x3b: {  	[tilespmem:s14], [sflag:$0x1] =	stream.indirect.gather [hbm4b:s4+s13], $0x80, s20, s13, $0xb8;
	[tilespmem:$0x1F000] =	vst v63  }
0x3c: {  	p0 =	sne.s32 s19, $0xF800;
	_ =	swait.ge [sflag:s15], $0x2800  }
.Ltmp2:
0x3d: {  	[sflag:s15] =	ssyncset.done $0x0;
	(pc) =	sbr.rel @p0 .LBB2_6-.Ltmp2, $4  }
0x3e: {  	s19 =	sadd.s32 $0x4000, s20;
	[sflag:s15] =	ssyncadd.s32 $0xFFFFD800  }
0x3f: {  	[spmem:s1] =	stream.indirect.scatter.add.f32 [tilespmem:s14], [sflag:$0x2], $0x80, s19, s13, $0xb8;
	[tilespmem:$0x1F000] =	vst v63  }
0x40: {  	_ =	swait.ge [sflag:s11], $0x2800  }
0x41: {  	s19 =	smov.u32 s21;
	[sflag:s11] =	ssyncset.done $0x0  }
0x42: {  	s18 =	sshra.s32 s18, $0x2;
	[sflag:s11] =	ssyncadd.s32 $0xFFFFD800  }
0x43: {  	[tilespmem:s14], [sflag:$0x1] =	stream.indirect.gather [hbm4b:s4+s13], $0x80, s18, s13, $0xb8;
	[tilespmem:$0x1F000] =	vst v63  }
0x44: {  	_ =	swait.ge [sflag:s15], $0x2800  }
0x45: {  	[sflag:s15] =	ssyncset.done $0x0  }
0x46: {  	s18 =	sadd.s32 $0x4000, s18;
	[sflag:s15] =	ssyncadd.s32 $0xFFFFD800  }
0x47: {  	[spmem:s1] =	stream.indirect.scatter.add.f32 [tilespmem:s14], [sflag:$0x2], $0x80, s18, s13, $0xb8;
	[tilespmem:$0x1F000] =	vst v63  }
0x48: {  	_ =	swait.ge [sflag:s11], $0x2800  }
0x49: {  	s3 =	sadd.s32 $0x1, s3;
	[sflag:s11] =	ssyncset.done $0x0  }
0x4a: {  	p0 =	sne.s32 s3, s9;
	[sflag:s11] =	ssyncadd.s32 $0xFFFFD800  }
.Ltmp3:
0x4b: {  	[bflag:$0x0] =	sbarrier.arrive $0xFFFF;
	(pc) =	sbr.rel @p0 .LBB2_1-.Ltmp3, $4  }
0x4c: {  	[hbm:s8], [sflag:s16] =	dma.local [spmem:s17], $0x2800  }
0x4d: {  	_ =	swait.ge [sflag:s11], $0x2800  }
0x4e: {  	[sflag:s11] =	ssyncset.done $0x0  }
0x4f: {  	[sflag:s11] =	ssyncadd.s32 $0xFFFFD800  }
0x50: {  	_ =	sfence.sel $0x180000  }
0x51: {  	[bflag:$0x0] =	sbarrier.arrive $0xFFFF  }
0x52: {  	p0 =	sne.s32 s2, $0x0;
	_ =	strace $0x9000004D  }
0x53: {  	s0 =	sadd.s32 @!p0 $0x100000, s0;
	[bflag:$0x2] =	sbarrier.arrive $0xFFFF  }
0x54: {  	[sflag:s0] =	ssyncadd.tile.s32 @!p0 $0x1;
	_ =	shalt  }
.Lfunc_end2:
_tile_overlayer_lowered:
.L_overlay_start_2:
0x55: {  	(tag) =	ssettag $0x2  }
0x56: {  	s0 =	rddreg [dreg:$0x0];
	s2 =	stileid.u32  }
0x57: {  	s1 =	rddreg [dreg:$0x1];
	p0 =	sne.s32 s2, $0x0  }
0x58: {  	s3 =	rddreg [dreg:$0x2];
	[bflag:$0x3] =	sbarrier.arrive $0xFFFF;
	s2 =	simm.s32 @!p0 $0x1C02  }
0x59: {  	[timem:s3], [sflag:s2] =	dma.local @!p0 [hbm:s0], s1  }
0x5a: {  	s0 =	simm.s32 @!p0 $0x2  }
0x5b: {  	_ =	swait.ge @!p0 [sflag:s0], s1  }
0x5c: {  	s1 =	ssub.s32 @!p0 $0x0, s1;
	[sflag:s0] =	ssyncset.done @!p0 $0x0  }
0x5d: {  	[sflag:s0] =	ssyncadd.s32 @!p0 s1  }
0x5e: {  	[bflag:$0x3] =	sbarrier.arrive $0xFFFF  }
0x5f: {  	_ =	shalt  }

// kernel: kernel.9.cloned.1.call-start
scs
__scs_entry_jumppad:
0x0: {  	(pc) =	sbr.rel $0x88, $3  }
0x1: {  	(tag) =	ssettag $0x0;
	lr =	simm.s32 $0x1  }
0x2: {  	[smem:$0x3F80] =	sst lr;
	_ =	strace $0xD0000000  }
0x3: {  	_ = 	snop  }
0x4: {  	_ = 	snop  }
0x5: {  	_ = 	snop  }
0x6: {  	_ = 	snop  }
0x7: {  	_ = 	snop  }
__scs_overlays_trampoline_lowered:
0x8: {  	[smem:$0x3F8F] =	sst s0  }
0x9: {  	[smem:$0x3F90] =	sst s1  }
0xa: {  	[smem:$0x3F91] =	sst s2  }
0xb: {  	[smem:$0x3F92] =	sst s3  }
0xc: {  	[smem:$0x3F93] =	sst s4  }
0xd: {  	[smem:$0x3F94] =	sst s5  }
0xe: {  	[smem:$0x3F95] =	sst s6  }
0xf: {  	[smem:$0x3F96] =	sst s7  }
0x10: {  	[smem:$0x3F97] =	sst s8  }
0x11: {  	[smem:$0x3F98] =	sst s9;
	s0 =	simm.s32 @!p0 $0x0  }
0x12: {  	s1 =	sld [smem:$0x3F7E];
	s0 =	simm.s32 @p0 $0x1  }
0x13: {  	[smem:$0x3F99] =	sst s0;
	s0 =	simm.s32 @!p1 $0x0  }
0x14: {  	s2 =	sld [smem:$0x3F7D];
	s0 =	simm.s32 @p1 $0x1  }
0x15: {  	[smem:$0x3F9A] =	sst s0;
	s0 =	simm.s32 @!p2 $0x0  }
0x16: {  	s3 =	sld [smem:$0x3FDB];
	s0 =	simm.s32 @p2 $0x1  }
0x17: {  	s4 =	simm.s32 $0x1BF5;
	[smem:$0x3F9C] =	sst s0  }
0x18: {  	s0 =	sld [smem:$0x3F7F];
	_ =	swait.ge [sflag:s4], $0x0  }
0x19: {  	s7 =	sld [smem:$0x3F80]  }
0x1a: {  	s8 =	sadd.s32 $0xFFFFE003, lr  }
0x1b: {  	s9 =	sadd.s32 $0xFFFFFEF7, lr;
	s5 =	simm.s32 $0xFFFFFFFF;
	p2 =	slt.u32 s8, $0xFFFFF086  }
0x1c: {  	p1 =	slt.u32 s9, $0xF7A;
	s5 =	simm.s32 @!p2 $0x0  }
0x1d: {  	s5 =	simm.s32 @p1 $0x1;
	p0 =	seq.s32 s7, s2  }
0x1e: {  	s7 =	smul.u32 @!p0 $0xF7A, s2;
	p2 =	seq.s32 @!p0 s5, $0x0  }
0x1f: {  	s9 =	smul.u32 $0xF7A, s1;
	s8 =	simm.s32 @!p0 $0x1BF5;
	p2 =	por !p2, p0  }
0x20: {  	[sflag:s8] =	ssyncset.s32 @!p0 $0xFFFFF086;
	s6 =	sadd.s32 @!p0 s3, s7;
	s7 =	simm.s32 @!p0 $0x108  }
0x21: {  	s3 =	sadd.s32 s3, s9;
	s6 =	sadd.s32 @!p0 $0x88, s6;
	s7 =	simm.s32 @p2 $0x1082  }
0x22: {  	[simem:s7], [sflag:s8] =	dma.local @!p0 [hbm:s6], $0xF7A  }
0x23: {  	s9 =	sor.u32 $0xD0000000, s2;
	s6 =	simm.s32 $0x108;
	_ =	swait.ge @!p0 [sflag:s8], $0x0  }
0x24: {  	s3 =	sadd.s32 $0x88, s3;
	s6 =	simm.s32 @!p1 $0x1082;
	[sflag:s4] =	ssyncset.s32 $0xFFFFF086  }
0x25: {  	[simem:s6], [sflag:s4] =	dma.local [hbm:s3], $0xF7A  }
0x26: {  	[smem:$0x3F80] =	sst s1;
	(tag) =	ssettag s2;
	_ =	strace s9  }
0x27: {  	s1 =	sld [smem:$0x3F90]  }
0x28: {  	s2 =	sld [smem:$0x3F91]  }
0x29: {  	s4 =	sld [smem:$0x3F93]  }
0x2a: {  	p0 =	seq.s32 s5, $0x0;
	s5 =	sld [smem:$0x3F94]  }
0x2b: {  	s6 =	sld [smem:$0x3F95]  }
0x2c: {  	s7 =	sld [smem:$0x3F96]  }
0x2d: {  	s3 =	simm.s32 $0x108;
	s8 =	sld [smem:$0x3F97]  }
0x2e: {  	s3 =	simm.s32 @!p0 $0x1082;
	s9 =	sld [smem:$0x3F98]  }
0x2f: {  	lr =	sadd.s32 s0, s3;
	s0 =	sld [smem:$0x3F8F]  }
0x30: {  	s3 =	sld [smem:$0x3F92]  }
0x31: {  	[smem:$0x3F9B] =	sst s10  }
0x32: {  	s10 =	sld [smem:$0x3F99];
	_ =	sdelay $0x3  }
0x33: {  	p0 =	seq.s32 s10, $0x1;
	s10 =	sld [smem:$0x3F9B];
	_ =	sdelay $0x3  }
0x34: {  	[smem:$0x3F9B] =	sst s10  }
0x35: {  	s10 =	sld [smem:$0x3F9A];
	_ =	sdelay $0x3  }
0x36: {  	p1 =	seq.s32 s10, $0x1;
	s10 =	sld [smem:$0x3F9B];
	_ =	sdelay $0x3  }
0x37: {  	[smem:$0x3F9B] =	sst s10  }
0x38: {  	s10 =	sld [smem:$0x3F9C]  }
0x39: {  	_ = 	snop;
	(pc) =	sbr.ind lr, $3  }
0x3a: {  	_ = 	snop  }
0x3b: {  	_ = 	snop  }
0x3c: {  	p2 =	seq.s32 s10, $0x1;
	s10 =	sld [smem:$0x3F9B]  }
0x3d: {  	_ =	shalt  }
0x3e: {  	_ =	shalt  }
0x3f: {  	_ =	shalt  }
0x40: {  	_ =	shalt  }
0x41: {  	_ =	shalt  }
0x42: {  	_ =	shalt  }
0x43: {  	_ =	shalt  }
0x44: {  	_ =	shalt  }
0x45: {  	_ =	shalt  }
0x46: {  	_ =	shalt  }
0x47: {  	_ =	shalt  }
0x48: {  	_ =	shalt  }
0x49: {  	_ =	shalt  }
0x4a: {  	_ =	shalt  }
0x4b: {  	_ =	shalt  }
0x4c: {  	_ =	shalt  }
0x4d: {  	_ =	shalt  }
0x4e: {  	_ =	shalt  }
0x4f: {  	_ =	shalt  }
0x50: {  	_ =	shalt  }
0x51: {  	_ =	shalt  }
0x52: {  	_ =	shalt  }
0x53: {  	_ =	shalt  }
0x54: {  	_ =	shalt  }
0x55: {  	_ =	shalt  }
0x56: {  	_ =	shalt  }
0x57: {  	_ =	shalt  }
0x58: {  	_ =	shalt  }
0x59: {  	_ =	shalt  }
0x5a: {  	_ =	shalt  }
0x5b: {  	_ =	shalt  }
0x5c: {  	_ =	shalt  }
0x5d: {  	_ =	shalt  }
0x5e: {  	_ =	shalt  }
0x5f: {  	_ =	shalt  }
0x60: {  	_ =	shalt  }
0x61: {  	_ =	shalt  }
0x62: {  	_ =	shalt  }
0x63: {  	_ =	shalt  }
0x64: {  	_ =	shalt  }
0x65: {  	_ =	shalt  }
0x66: {  	_ =	shalt  }
0x67: {  	_ =	shalt  }
0x68: {  	_ =	shalt  }
0x69: {  	_ =	shalt  }
0x6a: {  	_ =	shalt  }
0x6b: {  	_ =	shalt  }
0x6c: {  	_ =	shalt  }
0x6d: {  	_ =	shalt  }
0x6e: {  	_ =	shalt  }
0x6f: {  	_ =	shalt  }
0x70: {  	_ =	shalt  }
0x71: {  	_ =	shalt  }
0x72: {  	_ =	shalt  }
0x73: {  	_ =	shalt  }
0x74: {  	_ =	shalt  }
0x75: {  	_ =	shalt  }
0x76: {  	_ =	shalt  }
0x77: {  	_ =	shalt  }
0x78: {  	_ =	shalt  }
0x79: {  	_ =	shalt  }
0x7a: {  	_ =	shalt  }
0x7b: {  	_ =	shalt  }
0x7c: {  	_ =	shalt  }
0x7d: {  	_ =	shalt  }
0x7e: {  	_ =	shalt  }
0x7f: {  	_ =	shalt  }
0x80: {  	_ =	shalt  }
0x81: {  	_ =	shalt  }
0x82: {  	_ =	shalt  }
0x83: {  	_ =	shalt  }
0x84: {  	_ =	shalt  }
0x85: {  	_ =	shalt  }
0x86: {  	_ =	shalt  }
0x87: {  	_ =	shalt  }
.Lfunc_end0:
.L_simem_size_0:
called_computation_lowered:
.L_overlay_start_0:
0x88: {  	s2 =	sld [smem:$0x3FD9]  }
0x89: {  	s3 =	sld [smem:$0x3FFE];
	_ =	sdelay $0x1  }
0x8a: {  	s1 =	srdreg.scid  }
0x8b: {  	s0 =	sand.u32 $0x1, s1  }
0x8c: {  	s17 =	sshll.u32 s0, $0xA;
	s2 =	sadd.s32 s3, s2  }
0x8d: {  	s2 =	sadd.s32 s2, s17  }
0x8e: {  	[smem:$0x3FA7] =	sst s2  }
0x8f: {  	_ = 	snop  }
0x90: {  	s2 =	sld [smem:$0x3FC9];
	(tm) =	ssettm $0x1  }
0x91: {  	s18 =	sld [smem:$0x3FFB];
	_ =	sdelay $0x3  }
0x92: {  	_ =	strace s18  }
0x93: {  	s3 =	sld [smem:$0x3FFC];
	_ =	sdelay $0x3  }
0x94: {  	_ =	strace s3  }
0x95: {  	s3 =	sld [smem:$0x3FFD];
	_ =	sdelay $0x3  }
0x96: {  	_ =	strace s3  }
0x97: {  	_ =	strace $0x8FFFFFFF  }
0x98: {  	s19 =	sld [smem:$0x3FDB];
	_ =	sdelay $0x1  }
0x99: {  	s4 =	simm.s32 $_scs_section_size  }
0x9a: {  	s5 =	simm.s32 $_size__tile_overlayer_lowered;
	s6 =	simm.s32 $_tile_overlayer_lowered  }
0x9b: {  	s22 =	simm.s32 $0x1BFF;
	s21 =	sshll.u32 s6, $0x1;
	s3 =	sadd.s32 s4, s19  }
0x9c: {  	s7 =	simm.s32 $0x0;
	s20 =	sshll.u32 s5, $0x1;
	s5 =	sadd.s32 s21, s3  }
0x9d: {  	[timem:s7], [sflag:s22] =	dma.local [hbm:s5], s20  }
0x9e: {  	_ =	swait.ge [sflag:s22], s20  }
0x9f: {  	s4 =	ssub.s32 $0x0, s20;
	[sflag:s22] =	ssyncset.done $0x0  }
0xa0: {  	[sflag:s22] =	ssyncadd.s32 s4;
	_ =	sdelay $0x1  }
0xa1: {  	s23 =	simm.s32 $0x1B8B  }
0xa2: {  	_ =	swait.ge [sflag:s23], $0x1  }
0xa3: {  	[sflag:s23] =	ssyncset.done $0x0  }
0xa4: {  	s25 =	simm.s32 $0x1B8E;
	s24 =	sld [smem:$0x3FFE];
	[sflag:s23] =	ssyncadd.s32 $0xFFFFFFFF  }
0xa5: {  	s26 =	simm.s32 $execute0_lowered;
	[smem:$0x3FD2] =	sst s25  }
0xa6: {  	s5 =	sshll.u32 s26, $0x1;
	_ =	strace $0x80000046;
	[dreg:$0x1] =	wrdreg $0xFFFFFFFF  }
0xa7: {  	s28 =	simm.s32 $_size_execute0_lowered;
	s3 =	sadd.s32 s3, s5;
	[dreg:$0x0] =	wrdreg $0x0  }
0xa8: {  	s5 =	sshll.u32 s28, $0x1;
	[dreg:$0x2] =	wrdreg s3  }
0xa9: {  	[dreg:$0x3] =	wrdreg s5  }
0xaa: {  	[dreg:$0x4] =	wrdreg $0xC0  }
0xab: {  	_ =	task [dreg:s7], $0x5FFFF  }
0xac: {  	[dreg:$0x1] =	wrdreg $0xFFFFFFFF  }
0xad: {  	[dreg:$0x0] =	wrdreg $0x60  }
0xae: {  	[dreg:$0x2] =	wrdreg s2  }
0xaf: {  	[dreg:$0x3] =	wrdreg s24  }
0xb0: {  	[dreg:$0x4] =	wrdreg $0xB0000  }
0xb1: {  	[dreg:$0x5] =	wrdreg $0x9  }
0xb2: {  	_ =	task.clear_ibuf [dreg:s7], $0x6FFFF;
	_ =	strace $0x90000046  }
0xb3: {  	s29 =	simm.s32 $0x9;
	_ =	strace $0x80000048  }
0xb4: {  	_ =	swait.ge [sflag:s29], $0x1  }
0xb5: {  	[sflag:s29] =	ssyncadd.s32 $0xFFFFFFFF  }
0xb6: {  	_ =	strace $0x90000048  }
0xb7: {  	_ =	sfence  }
0xb8: {  	s30 =	sld [smem:$0x0];
	_ =	sdelay $0x2  }
0xb9: {  	s31 =	sshll.u32 s1, $0xD;
	s1 =	sshrl.u32 s1, $0x2  }
0xba: {  	s3 =	sand.u32 $0x4000, s31;
	s1 =	sadd.s32 s1, s30  }
0xbb: {  	s0 =	sor.u32 s3, s0;
	s1 =	sshll.u32 s1, $0x11  }
0xbc: {  	s0 =	sor.u32 s1, s0  }
0xbd: {  	s0 =	sadd.s32 $0x8F2B, s0  }
0xbe: {  	[sflag:s0] =	ssyncadd.remote.s32 $0x1  }
0xbf: {  	_ =	sfence.sel $0xFFFF  }
0xc0: {  	[dreg:$0x0] =	wrdreg $0xFFFFFFFF;
	(pc) =	sbr.abs _section_cstart, $3  }
0xc1: {  	[dreg:$0x1] =	wrdreg $0xFFFFFFFF  }
0xc2: {  	_ =	task.clear_ibuf [dreg:s7], $0x2FFFF;
	_ =	strace $0x9FFFFFFF  }
0xc3: {  	(tm) =	ssettm $0x7FFFFFFF  }
tec
execute0_lowered:
.L_overlay_start_1:
0x0: {  	(tag) =	ssettag $0x1  }
0x1: {  	s1 =	rddreg [dreg:$0x0]  }
0x2: {  	s5 =	rddreg [dreg:$0x1]  }
0x3: {  	s2 =	rddreg [dreg:$0x2]  }
0x4: {  	s3 =	srdreg.scid;
	s0 =	rddreg [dreg:$0x3]  }
0x5: {  	s4 =	simm.s32 $0x0;
	s12 =	simm.s32 $0x4000;
	s13 =	simm.s32 $0x50  }
0x6: {  	s14 =	simm.s32 $0x8000;
	s6 =	sand.u32 $0x1, s3;
	s3 =	stileid.u32  }
0x7: {  	s15 =	simm.s32 $0x1;
	[smem:$0x7FF] =	sst s4;
	s7 =	smul.u32 $0x140000, s6  }
0x8: {  	s8 =	smul.u32 $0x14000, s3;
	_ =	strace $0x80000047;
	s9 =	sshll.u32 s6, $0xF  }
0x9: {  	s10 =	sshll.u32 s3, $0xB;
	s28 =	smul.u32 $0x50000, s3;
	s6 =	ssub.s32 $0x2, s6  }
0xa: {  	s16 =	sshll.u32 s3, $0x6;
	s9 =	sor.u32 s10, s9;
	s30 =	sshrl.u32 s6, $0x1  }
0xb: {  	s10 =	simm.s32 $0xA800;
	s16 =	sor.u32 $0x1C02, s16;
	s7 =	sadd.s32 s8, s7  }
0xc: {  	s9 =	sadd.s32 s9, s5;
	s31 =	sshrl.u32 s28, $0x2;
	s7 =	sshrl.u32 s7, $0x3  }
0xd: {  	s11 =	ssub.s32 s6, s30;
	s6 =	sadd.s32 $0x5600, s9;
	s29 =	sadd.s32 s7, s5  }
0xe: {  	s5 =	sadd.s32 s31, s2;
	s7 =	sadd.s32 $0x15600, s9;
	s9 =	smax.u32 s11, $0x1  }
0xf: {  	v0 =	vimm.f32 $0.0e+00;
	s11 =	simm.s32 $0x2;
	s8 =	sadd.s32 $0x25600, s29;
	s17 =	sshrl.u32 s5, $0x3  }
.LBB2_1:
0x10: {  	s18 =	simm.s32 $0x0;
	s19 =	simm.s32 $0x200  }
.LBB2_2:
0x11: {  	p0 =	sne.s32 s19, $0x1E00;
	[tilespmem:s18+$0xA870] =	vst v0  }
0x12: {  	[tilespmem:s18+$0xA800] =	vst v0  }
0x13: {  	[tilespmem:s18+$0xA810] =	vst v0  }
.Ltmp0:
0x14: {  	[tilespmem:s18+$0xA820] =	vst v0;
	(pc) =	sbr.rel @p0 .LBB2_2-.Ltmp0, $4  }
0x15: {  	[tilespmem:s18+$0xA830] =	vst v0  }
0x16: {  	[tilespmem:s18+$0xA840] =	vst v0  }
0x17: {  	[tilespmem:s18+$0xA850] =	vst v0  }
0x18: {  	[tilespmem:s18+$0xA860] =	vst v0;
	s18 =	sshra.s32 s19, $0x2;
	s19 =	sadd.s32 $0x200, s19  }
0x19: {  	[tilespmem:s18+$0xA870] =	vst v0  }
0x1a: {  	[tilespmem:s18+$0xA800] =	vst v0  }
0x1b: {  	[tilespmem:s18+$0xA810] =	vst v0  }
0x1c: {  	[tilespmem:s18+$0xA820] =	vst v0  }
0x1d: {  	[tilespmem:s18+$0xA830] =	vst v0  }
0x1e: {  	[tilespmem:s18+$0xA840] =	vst v0  }
0x1f: {  	[tilespmem:s18+$0xA850] =	vst v0  }
0x20: {  	[tilespmem:s18+$0xA860] =	vst v0;
	s31 =	sadd.s32 $0x0, s5  }
0x21: {  	[spmem:s31] =	stream.linear.scatter [tilespmem:s10], [sflag:$0x2], $0x800, $0x38;
	[tilespmem:$0x1F000] =	vst v63  }
0x22: {  	s18 =	simm.s32 $0x2000;
	_ =	swait.ge [sflag:s11], $0x800  }
.LBB2_4:
0x23: {  	s19 =	sshra.s32 s18, $0x2;
	[sflag:s11] =	ssyncset.done $0x0;
	p0 =	sne.s32 s18, $0x4E000  }
.Ltmp1:
0x24: {  	s19 =	sadd.s32 s19, s5;
	[sflag:s11] =	ssyncadd.s32 $0xFFFFF800;
	(pc) =	sbr.rel @p0 .LBB2_4-.Ltmp1, $3  }
0x25: {  	[spmem:s19] =	stream.linear.scatter [tilespmem:s10], [sflag:$0x2], $0x800, $0x38;
	[tilespmem:$0x1F000] =	vst v63  }
0x26: {  	s18 =	sadd.s32 $0x2000, s18;
	_ =	sdelay $0x1  }
0x27: {  	_ =	swait.ge [sflag:s11], $0x800  }
0x28: {  	[sflag:s11] =	ssyncset.done $0x0  }
0x29: {  	s18 =	simm.s32 $0x0;
	[sflag:s11] =	ssyncadd.s32 $0xFFFFF800  }
0x2a: {  	[tilespmem:s18], [sflag:$0x2] =	stream.linear.gather [hbm4b:s6+s18], $0x3E80, $0x38;
	[tilespmem:$0x1F000] =	vst v63  }
0x2b: {  	_ =	swait.ge [sflag:s11], $0x3E80  }
0x2c: {  	[sflag:s11] =	ssyncset.done $0x0  }
0x2d: {  	[sflag:s11] =	ssyncadd.s32 $0xFFFFC180  }
0x2e: {  	[tilespmem:s12], [sflag:$0x2] =	stream.linear.gather [hbm4b:s7+s18], $0x3E80, $0x38;
	[tilespmem:$0x1F000] =	vst v63  }
0x2f: {  	_ =	swait.ge [sflag:s11], $0x3E80  }
0x30: {  	[sflag:s11] =	ssyncset.done $0x0  }
0x31: {  	[sflag:s11] =	ssyncadd.s32 $0xFFFFC180  }
0x32: {  	s30 =	simm.s32 $0x0;
	[bflag:$0x0] =	sbarrier.arrive $0xFFFF  }
0x33: {  	[tilespmem:s14], [sflag:$0x1] =	stream.indirect.gather [hbm4b:s1+s13], $0x80, s30, s13, $0xb8;
	[tilespmem:$0x1F000] =	vst v63  }
0x34: {  	_ =	swait.ge [sflag:s15], $0x2800  }
0x35: {  	[sflag:s15] =	ssyncset.done $0x0  }
0x36: {  	s31 =	simm.s32 $0x4000;
	[sflag:s15] =	ssyncadd.s32 $0xFFFFD800  }
0x37: {  	[spmem:s2] =	stream.indirect.scatter.add.f32 [tilespmem:s14], [sflag:$0x2], $0x80, s31, s13, $0xb8;
	[tilespmem:$0x1F000] =	vst v63  }
0x38: {  	_ =	swait.ge [sflag:s11], $0x2800  }
0x39: {  	s19 =	simm.s32 $0x400;
	s18 =	simm.s32 $0x200;
	[sflag:s11] =	ssyncset.done $0x0  }
.LBB2_6:
0x3a: {  	s20 =	sshra.s32 s18, $0x2  }
0x3b: {  	[sflag:s11] =	ssyncadd.s32 $0xFFFFD800;
	s18 =	smov.u32 s19;
	s21 =	sadd.s32 $0x200, s19  }
0x3c: {  	[tilespmem:s14], [sflag:$0x1] =	stream.indirect.gather [hbm4b:s1+s13], $0x80, s20, s13, $0xb8;
	[tilespmem:$0x1F000] =	vst v63  }
0x3d: {  	p0 =	sne.s32 s19, $0xF800;
	_ =	swait.ge [sflag:s15], $0x2800  }
.Ltmp2:
0x3e: {  	[sflag:s15] =	ssyncset.done $0x0;
	(pc) =	sbr.rel @p0 .LBB2_6-.Ltmp2, $4  }
0x3f: {  	s19 =	sadd.s32 $0x4000, s20;
	[sflag:s15] =	ssyncadd.s32 $0xFFFFD800  }
0x40: {  	[spmem:s2] =	stream.indirect.scatter.add.f32 [tilespmem:s14], [sflag:$0x2], $0x80, s19, s13, $0xb8;
	[tilespmem:$0x1F000] =	vst v63  }
0x41: {  	_ =	swait.ge [sflag:s11], $0x2800  }
0x42: {  	s19 =	smov.u32 s21;
	[sflag:s11] =	ssyncset.done $0x0  }
0x43: {  	s18 =	sshra.s32 s18, $0x2;
	[sflag:s11] =	ssyncadd.s32 $0xFFFFD800  }
0x44: {  	[tilespmem:s14], [sflag:$0x1] =	stream.indirect.gather [hbm4b:s1+s13], $0x80, s18, s13, $0xb8;
	[tilespmem:$0x1F000] =	vst v63  }
0x45: {  	_ =	swait.ge [sflag:s15], $0x2800  }
0x46: {  	[sflag:s15] =	ssyncset.done $0x0  }
0x47: {  	s18 =	sadd.s32 $0x4000, s18;
	[sflag:s15] =	ssyncadd.s32 $0xFFFFD800  }
0x48: {  	[spmem:s2] =	stream.indirect.scatter.add.f32 [tilespmem:s14], [sflag:$0x2], $0x80, s18, s13, $0xb8;
	[tilespmem:$0x1F000] =	vst v63  }
0x49: {  	_ =	swait.ge [sflag:s11], $0x2800  }
0x4a: {  	s4 =	sadd.s32 $0x1, s4;
	[sflag:s11] =	ssyncset.done $0x0  }
0x4b: {  	p0 =	sne.s32 s4, s9;
	[sflag:s11] =	ssyncadd.s32 $0xFFFFD800  }
.Ltmp3:
0x4c: {  	[bflag:$0x0] =	sbarrier.arrive $0xFFFF;
	(pc) =	sbr.rel @p0 .LBB2_1-.Ltmp3, $4  }
0x4d: {  	[hbm:s8], [sflag:s16] =	dma.local [spmem:s17], $0x2800  }
0x4e: {  	_ =	swait.ge [sflag:s11], $0x2800  }
0x4f: {  	[sflag:s11] =	ssyncset.done $0x0  }
0x50: {  	[sflag:s11] =	ssyncadd.s32 $0xFFFFD800  }
0x51: {  	_ =	sfence.sel $0x180000  }
0x52: {  	[bflag:$0x0] =	sbarrier.arrive $0xFFFF  }
0x53: {  	p0 =	sne.s32 s3, $0x0;
	_ =	strace $0x90000047  }
0x54: {  	s0 =	sadd.s32 @!p0 $0x100000, s0;
	[bflag:$0x2] =	sbarrier.arrive $0xFFFF  }
0x55: {  	[sflag:s0] =	ssyncadd.tile.s32 @!p0 $0x1;
	_ =	shalt  }
.Lfunc_end2:
_tile_overlayer_lowered:
.L_overlay_start_2:
0x56: {  	(tag) =	ssettag $0x2  }
0x57: {  	s0 =	rddreg [dreg:$0x0];
	s2 =	stileid.u32  }
0x58: {  	s1 =	rddreg [dreg:$0x1];
	p0 =	sne.s32 s2, $0x0  }
0x59: {  	s3 =	rddreg [dreg:$0x2];
	[bflag:$0x3] =	sbarrier.arrive $0xFFFF;
	s2 =	simm.s32 @!p0 $0x1C02  }
0x5a: {  	[timem:s3], [sflag:s2] =	dma.local @!p0 [hbm:s0], s1  }
0x5b: {  	s0 =	simm.s32 @!p0 $0x2  }
0x5c: {  	_ =	swait.ge @!p0 [sflag:s0], s1  }
0x5d: {  	s1 =	ssub.s32 @!p0 $0x0, s1;
	[sflag:s0] =	ssyncset.done @!p0 $0x0  }
0x5e: {  	[sflag:s0] =	ssyncadd.s32 @!p0 s1  }
0x5f: {  	[bflag:$0x3] =	sbarrier.arrive $0xFFFF  }
0x60: {  	_ =	shalt  }

</sc_bundles>
